<compile_context>
chip_gen: v7x
topology: tpu7x:2x2x1
jax: 0.10.2.dev20260603
libtpu: 0.0.44.dev20260713+nightly
codegen_flags: <defaults>
</compile_context>

<pallas_src>
import jax
import jax.numpy as jnp
from jax import lax
from jax.experimental import pallas as pl
from jax.experimental.pallas import tpu as pltpu
from jax.experimental.pallas import tpu_sc as plsc

B = 16
M = 2048
F = 512
N = 16384

NC = 2
NS = 16
NW = NC * NS
TRG = 32
XTR = N // 8 * 4 * 8
DTR = B * M // 8 * 4 * 8

GC = 4
CR = GC * 8
CTR = GC * TRG
NCHUNK = B * M // CR
CPB = M // CR
CPT = NCHUNK // NW


def _iota16():
    return lax.broadcasted_iota(jnp.int32, (16,), 0)


def _build_idx(idxref, srcbase):
    for t0 in range(0, CTR, 16):
        tv = _iota16() + t0
        j = (tv >> 3) & 3
        sr = srcbase + ((tv >> 5) << 3) + (tv & 7)
        src = jnp.clip(sr, 0, N - 1)
        idxref[pl.ds(t0, 16)] = ((src >> 3) << 5) + (j << 3) + (src & 7)


def _sc_dense_kernel(x_hbm, params_hbm, out_hbm,
                     gbufA, gbufB, zbuf, pbuf, idxA, idxB,
                     sem_g0, sem_g1, sem_o0, sem_o1, sem_z):
    wid = lax.axis_index("s") * NC + lax.axis_index("c")

    pltpu.sync_copy(params_hbm.at[pl.ds(wid * CPT, CPT)], pbuf)

    @pl.loop(0, CTR)
    def _(i):
        @pl.loop(0, 128, step=16)
        def _(j):
            zbuf[i, pl.ds(j, 16)] = jnp.zeros((16,), jnp.float32)

    bufs = ((gbufA, idxA, sem_g0, sem_o0), (gbufB, idxB, sem_g1, sem_o1))

    def step(i, carry):
        d0, d1 = carry

        @pl.when(i < CPT)
        def _():
            row = pbuf[i]
            srcbase = row[0]
            vlen = row[1]
            dchunk = row[2]

            @pl.when(vlen == 0)
            def _():
                pltpu.async_copy(zbuf, out_hbm.at[pl.ds(dchunk, CTR)], sem_z)

            @pl.when(vlen > 0)
            def _():
                for p, (gbuf, idx, sem_g, sem_o) in enumerate(bufs):
                    @pl.when(i % 2 == p)
                    def _(gbuf=gbuf, idx=idx, sem_g=sem_g, sem_o=sem_o,
                          dp=(d0, d1)[p]):
                        @pl.when(dp >= 0)
                        def _():
                            pltpu.make_async_copy(
                                gbuf, out_hbm.at[pl.ds(dp, CTR)], sem_o
                            ).wait()

                        _build_idx(idx, srcbase)
                        pltpu.async_copy(x_hbm.at[idx], gbuf, sem_g)

        prow = pbuf[jnp.maximum(i - 1, 0)]
        pvalid = (i >= 1) & (prow[1] > 0)

        @pl.when(pvalid)
        def _():
            vlen = prow[1]
            for p, (gbuf, idx, sem_g, sem_o) in enumerate(bufs):
                @pl.when((i - 1) % 2 == p)
                def _(gbuf=gbuf, idx=idx, sem_g=sem_g, sem_o=sem_o):
                    pltpu.make_async_copy(x_hbm.at[idx], gbuf, sem_g).wait()

                    @pl.when(vlen < CR)
                    def _():
                        def fix(dr, _):
                            base_tr = ((dr >> 3) << 5) + (dr & 7)
                            for j in range(4):
                                @pl.loop(0, 128, step=16)
                                def _(c, j=j):
                                    gbuf[base_tr + (j << 3), pl.ds(c, 16)] = (
                                        jnp.zeros((16,), jnp.float32)
                                    )
                            return 0

                        lax.fori_loop(vlen, CR, fix, 0)

                    pltpu.async_copy(
                        gbuf, out_hbm.at[pl.ds(prow[2], CTR)], sem_o
                    )

        pp = (i - 1) & 1
        d0 = jnp.where(pvalid & (pp == 0), prow[2], d0)
        d1 = jnp.where(pvalid & (pp == 1), prow[2], d1)
        return d0, d1

    d0, d1 = lax.fori_loop(
        0, CPT + 1, step, (jnp.int32(-1), jnp.int32(-1))
    )

    for p, (gbuf, _idx, _sg, sem_o) in enumerate(bufs):
        dp = (d0, d1)[p]

        @pl.when(dp >= 0)
        def _(gbuf=gbuf, dp=dp, sem_o=sem_o):
            pltpu.make_async_copy(
                gbuf, out_hbm.at[pl.ds(dp, CTR)], sem_o
            ).wait()

    def drain(i, _):
        row = pbuf[i]

        @pl.when(row[1] == 0)
        def _():
            pltpu.make_async_copy(
                zbuf, out_hbm.at[pl.ds(row[2], CTR)], sem_z
            ).wait()

        return 0

    lax.fori_loop(0, CPT, drain, 0)


def _sc_dense(x, params):
    x2 = (
        x.reshape(N // 8, 8, 4, 128)
        .transpose(0, 2, 1, 3)
        .reshape(XTR, 128)
    )
    mesh = plsc.VectorSubcoreMesh(core_axis_name="c", subcore_axis_name="s")
    k = pl.kernel(
        _sc_dense_kernel,
        out_type=jax.ShapeDtypeStruct((DTR, 128), jnp.float32),
        mesh=mesh,
        compiler_params=pltpu.CompilerParams(use_tc_tiling_on_sc=False),
        scratch_types=[
            pltpu.VMEM((CTR, 128), jnp.float32),
            pltpu.VMEM((CTR, 128), jnp.float32),
            pltpu.VMEM((CTR, 128), jnp.float32),
            pltpu.VMEM((CPT, 16), jnp.int32),
            pltpu.VMEM((CTR,), jnp.int32),
            pltpu.VMEM((CTR,), jnp.int32),
            pltpu.SemaphoreType.DMA,
            pltpu.SemaphoreType.DMA,
            pltpu.SemaphoreType.DMA,
            pltpu.SemaphoreType.DMA,
            pltpu.SemaphoreType.DMA,
        ],
    )
    out2 = k(x2, params)
    return (
        out2.reshape(B, M // 8, 4, 8, 128)
        .transpose(0, 1, 3, 2, 4)
        .reshape(B, M, F)
    )


def _dmask_body(counts_ref, dmask_ref):
    col = jax.lax.broadcasted_iota(jnp.int32, (B, M), 1)
    dmask_ref[...] = col < counts_ref[...]


def _tc_dmask(counts):
    return pl.pallas_call(
        _dmask_body,
        out_shape=[jax.ShapeDtypeStruct((B, M), jnp.bool_)],
    )(counts.reshape(B, 1))[0]


def kernel(x, batch_idx):
    counts = jnp.sum(
        batch_idx[None, :] == jnp.arange(B, dtype=jnp.int32)[:, None],
        axis=1,
        dtype=jnp.int32,
    )
    ptr_b = jnp.concatenate(
        [jnp.zeros((1,), jnp.int32), jnp.cumsum(counts)[: B - 1]]
    )

    dmask = _tc_dmask(counts)
    mask = jnp.broadcast_to(dmask[:, None, None, :], (B, 1, M, M))

    loc0 = jnp.arange(CPB, dtype=jnp.int32)[None, :] * CR
    srcbase = ptr_b[:, None] + loc0
    vlen = jnp.clip(counts[:, None] - loc0, 0, CR)
    dchunk = (
        jnp.arange(B, dtype=jnp.int32)[:, None] * (M // 8 * TRG)
        + jnp.arange(CPB, dtype=jnp.int32)[None, :] * CTR
    )
    table = jnp.stack(
        [srcbase.reshape(-1), vlen.reshape(-1), dchunk.reshape(-1)], axis=-1
    )
    table = jnp.pad(table, ((0, 0), (0, 13)))
    params = (
        table.reshape(CPT, NW, 16).transpose(1, 0, 2).reshape(NCHUNK, 16)
    )

    dense = _sc_dense(x, params)
    return dense, mask

# --- scband reference (transcript-rebuilt; emitter-appended) ---
"""Pipeline reference for scband-fullpair-71786083385394 (READ-ONLY COPY).

The authoritative reference and input builder live on the scoring server;
editing this copy changes nothing except your own understanding.
"""

import jax, jax.numpy as jnp
import numpy as np

B = 16
M = 2048
F = 512
N = 16384


def setup_inputs(seed: int = 0) -> dict:
    key = jax.random.key(seed)
    k1, k2 = jax.random.split(key)
    x = jax.random.normal(k1, (N, F), dtype=jnp.float32)
    batch_idx = jnp.sort(jax.random.randint(k2, (N,), 0, B, dtype=jnp.int32))
    return {"x": x, "batch_idx": batch_idx}


def reference(x, batch_idx):
    # to_dense_batch: ragged [N, F] -> dense [B, M, F] + mask, as in Fullpair.forward
    counts = jnp.bincount(batch_idx, length=B)
    ptr = jnp.concatenate([jnp.zeros((1,), counts.dtype), jnp.cumsum(counts)])
    pos = jnp.arange(N, dtype=batch_idx.dtype) - ptr[batch_idx].astype(batch_idx.dtype)
    gindex = batch_idx.astype(jnp.int32) * M + pos.astype(jnp.int32)
    # dense_flat = full(flat_size, 0); dense_flat[Gindex] = x  (scatter-overwrite)
    dense_flat = jnp.zeros((B * M, F), dtype=x.dtype).at[gindex].set(x)
    dense_x = dense_flat.reshape(B, M, F)
    # Dmask: True where a real node was written
    dmask = jnp.zeros((B * M,), dtype=bool).at[gindex].set(True).reshape(B, M)
    # attn_mask = Dmask.unsqueeze(1).unsqueeze(2).expand(-1, 1, M, -1)
    attn_mask = jnp.broadcast_to(dmask[:, None, None, :], (B, 1, M, M))
    return dense_x, attn_mask

if __name__ == "__main__":
    import jax
    _d = setup_inputs()
    print(jax.jit(kernel)(*tuple(_d.values())))

</pallas_src>

<mosaic_0001>
#map = affine_map<(d0, d1) -> (0, 0)>
module attributes {stable_mosaic.version = 14 : i64} {
  func.func @_sc_dense_kernel(%arg0: i32, %arg1: i32, %arg2: memref<65536x128xf32, #tpu.memory_space<hbm>>, %arg3: memref<1024x16xi32, #tpu.memory_space<hbm>>, %arg4: memref<131072x128xf32, #tpu.memory_space<hbm>>, %arg5: memref<128x128xf32, #tpu.memory_space<vmem>>, %arg6: memref<128x128xf32, #tpu.memory_space<vmem>>, %arg7: memref<128x128xf32, #tpu.memory_space<vmem>>, %arg8: memref<32x16xi32, #tpu.memory_space<vmem>>, %arg9: memref<128xi32, #tpu.memory_space<vmem>>, %arg10: memref<128xi32, #tpu.memory_space<vmem>>, %arg11: memref<!tpu.dma_semaphore, #tpu.memory_space<semaphore_mem>>, %arg12: memref<!tpu.dma_semaphore, #tpu.memory_space<semaphore_mem>>, %arg13: memref<!tpu.dma_semaphore, #tpu.memory_space<semaphore_mem>>, %arg14: memref<!tpu.dma_semaphore, #tpu.memory_space<semaphore_mem>>, %arg15: memref<!tpu.dma_semaphore, #tpu.memory_space<semaphore_mem>>) attributes {dimension_semantics = [#tpu.dimension_semantics<core_parallel>, #tpu.dimension_semantics<subcore_parallel>], iteration_bounds = array<i64: 2, 16>, scalar_prefetch = 0 : i64, scratch_operands = 11 : i64, tpu.core_type = #tpu.core_type<sc_vector_subcore>, window_params = [{transform_indices = #map}, {transform_indices = #map}, {transform_indices = #map}]} {
    %mul3A = arith.constant 2 : i32
    %mul3A_0 = arith.muli %arg1, %mul3A : i32
    %add3A = arith.addi %mul3A_0, %arg0 : i32
    %mul3A_1 = arith.constant 32 : i32
    %mul3A_2 = arith.muli %add3A, %mul3A_1 : i32
    "tpu.region"() ({
      %run_scoped3A = tpu.sem_alloc : memref<!tpu.dma_semaphore, #tpu.memory_space<semaphore_mem>>
      %dma_start3A = arith.constant 0 : i32
      %dma_start3A_29 = tpu.memref_slice %arg3[%mul3A_2, %dma_start3A] : memref<1024x16xi32, #tpu.memory_space<hbm>> -> memref<32x16xi32, #tpu.memory_space<hbm>>
      %dma_start3A_30 = arith.constant 0 : i32
      %dma_start3A_31 = tpu.memref_slice %arg3[%mul3A_2, %dma_start3A_30] : memref<1024x16xi32, #tpu.memory_space<hbm>> -> memref<32x16xi32, #tpu.memory_space<hbm>>
      tpu.enqueue_dma source(%dma_start3A_31 : memref<32x16xi32, #tpu.memory_space<hbm>>) target(%arg8 : memref<32x16xi32, #tpu.memory_space<vmem>>) target_semaphore(%run_scoped3A : memref<!tpu.dma_semaphore, #tpu.memory_space<semaphore_mem>>)
      %dma_wait3A = arith.constant 0 : i32
      %dma_wait3A_32 = tpu.memref_slice %arg3[%mul3A_2, %dma_wait3A] : memref<1024x16xi32, #tpu.memory_space<hbm>> -> memref<32x16xi32, #tpu.memory_space<hbm>>
      %dma_wait3A_33 = arith.constant 0 : i32
      %dma_wait3A_34 = tpu.memref_slice %arg3[%mul3A_2, %dma_wait3A_33] : memref<1024x16xi32, #tpu.memory_space<hbm>> -> memref<32x16xi32, #tpu.memory_space<hbm>>
      tpu.wait_dma2 semaphore(%run_scoped3A : memref<!tpu.dma_semaphore, #tpu.memory_space<semaphore_mem>>) src(%dma_wait3A_34 : memref<32x16xi32, #tpu.memory_space<hbm>>) dst(%arg8 : memref<32x16xi32, #tpu.memory_space<vmem>>)
      tpu.yield
    }) : () -> ()
    %scan3A = arith.constant 0 : i32
    %scan3A_3 = arith.constant 128 : i32
    %scan3A_4 = arith.addi %scan3A, %scan3A_3 : i32
    %scan3A_5 = arith.constant 1 : i32
    scf.for %scan3A_29 = %scan3A to %scan3A_4 step %scan3A_5  : i32 {
      %mul3A_30 = arith.constant 1 : i32
      %mul3A_31 = arith.muli %scan3A_29, %mul3A_30 : i32
      %add3A_32 = arith.constant 0 : i32
      %add3A_33 = arith.addi %add3A_32, %mul3A_31 : i32
      %scan3A_34 = arith.constant 0 : i32
      %scan3A_35 = arith.constant 8 : i32
      %scan3A_36 = arith.addi %scan3A_34, %scan3A_35 : i32
      %scan3A_37 = arith.constant 1 : i32
      scf.for %scan3A_39 = %scan3A_34 to %scan3A_36 step %scan3A_37  : i32 {
        %mul3A_40 = arith.constant 16 : i32
        %mul3A_41 = arith.muli %scan3A_39, %mul3A_40 : i32
        %add3A_42 = arith.constant 0 : i32
        %add3A_43 = arith.addi %add3A_42, %mul3A_41 : i32
        %broadcast_in_dim3A = arith.constant 0.000000e+00 : f32
        %broadcast_in_dim3A_44 = vector.broadcast %broadcast_in_dim3A : f32 to vector<16xf32>
        %swap3A = arith.index_cast %add3A_33 : i32 to index
        %swap3A_45 = arith.index_cast %add3A_43 : i32 to index
        %swap3A_46 = tpu.vector_load %arg7[%swap3A, %swap3A_45] {strides = array<i32>} : memref<128x128xf32, #tpu.memory_space<vmem>>, vector<1x16xf32>,
        %swap3A_47 = vector.shape_cast %swap3A_46 : vector<1x16xf32> to vector<16xf32>
        %swap3A_48 = vector.shape_cast %broadcast_in_dim3A_44 : vector<16xf32> to vector<1x16xf32>
        tpu.vector_store %arg7[%swap3A, %swap3A_45], %swap3A_48 {strides = array<i32>} : memref<128x128xf32, #tpu.memory_space<vmem>>, vector<1x16xf32>,
      }
      %scan3A_38 = arith.constant 8 : i32
    }
    %scan3A_6 = arith.constant 128 : i32
    %scan3A_7 = arith.constant -1 : i32
    %scan3A_8 = arith.constant -1 : i32
    %scan3A_9 = arith.constant 0 : i32
    %scan3A_10 = arith.constant 33 : i32
    %scan3A_11 = arith.addi %scan3A_9, %scan3A_10 : i32
    %scan3A_12 = arith.constant 1 : i32
    %scan3A_13:2 = scf.for %scan3A_29 = %scan3A_9 to %scan3A_11 step %scan3A_12 iter_args(%scan3A_30 = %scan3A_7, %scan3A_31 = %scan3A_8) -> (i32, i32)  : i32 {
      %lt3A = arith.constant 32 : i32
      %lt3A_32 = arith.cmpi slt, %scan3A_29, %lt3A : i32
      %convert_element_type3A_33 = arith.extui %lt3A_32 : i1 to i32
      %cond3A_34 = arith.constant 0 : i32
      %cond3A_35 = arith.cmpi ne, %convert_element_type3A_33, %cond3A_34 : i32
      scf.if %cond3A_35 {
        %get3A_61 = arith.index_cast %scan3A_29 : i32 to index
        %get3A_62 = arith.constant 0 : index
        %get3A_63 = tpu.vector_load %arg8[%get3A_61, %get3A_62] {strides = array<i32>} : memref<32x16xi32, #tpu.memory_space<vmem>>, vector<1x16xi32>,
        %get3A_64 = vector.shape_cast %get3A_63 : vector<1x16xi32> to vector<16xi32>
        %slice3A_65 = vector.extract_strided_slice %get3A_64 {offsets = [0], sizes = [1], strides = [1]} : vector<16xi32> to vector<1xi32>
        %squeeze3A_66 = vector.extract %slice3A_65[0] : i32 from vector<1xi32>
        %slice3A_67 = vector.extract_strided_slice %get3A_64 {offsets = [1], sizes = [1], strides = [1]} : vector<16xi32> to vector<1xi32>
        %squeeze3A_68 = vector.extract %slice3A_67[0] : i32 from vector<1xi32>
        %slice3A_69 = vector.extract_strided_slice %get3A_64 {offsets = [2], sizes = [1], strides = [1]} : vector<16xi32> to vector<1xi32>
        %squeeze3A_70 = vector.extract %slice3A_69[0] : i32 from vector<1xi32>
        %eq3A_71 = arith.constant 0 : i32
        %eq3A_72 = arith.cmpi eq, %squeeze3A_68, %eq3A_71 : i32
        %convert_element_type3A_73 = arith.extui %eq3A_72 : i1 to i32
        %cond3A_74 = arith.constant 0 : i32
        %cond3A_75 = arith.cmpi ne, %convert_element_type3A_73, %cond3A_74 : i32
        scf.if %cond3A_75 {
          %dma_start3A = arith.constant 0 : i32
          %dma_start3A_81 = tpu.memref_slice %arg4[%squeeze3A_70, %dma_start3A] : memref<131072x128xf32, #tpu.memory_space<hbm>> -> memref<128x128xf32, #tpu.memory_space<hbm>>
          %dma_start3A_82 = arith.constant 0 : i32
          %dma_start3A_83 = tpu.memref_slice %arg4[%squeeze3A_70, %dma_start3A_82] : memref<131072x128xf32, #tpu.memory_space<hbm>> -> memref<128x128xf32, #tpu.memory_space<hbm>>
          tpu.enqueue_dma source(%arg7 : memref<128x128xf32, #tpu.memory_space<vmem>>) target(%dma_start3A_83 : memref<128x128xf32, #tpu.memory_space<hbm>>) target_semaphore(%arg15 : memref<!tpu.dma_semaphore, #tpu.memory_space<semaphore_mem>>)
        } else {
        }
        %gt3A_76 = arith.constant 0 : i32
        %gt3A_77 = arith.cmpi sgt, %squeeze3A_68, %gt3A_76 : i32
        %convert_element_type3A_78 = arith.extui %gt3A_77 : i1 to i32
        %cond3A_79 = arith.constant 0 : i32
        %cond3A_80 = arith.cmpi ne, %convert_element_type3A_78, %cond3A_79 : i32
        scf.if %cond3A_80 {
          %jit3A = arith.constant 2 : i32
          %eq3A_81 = arith.constant 0 : i32
          %eq3A_82 = arith.cmpi eq, %jit3A, %eq3A_81 : i32
          %jit3A_83 = arith.constant 1 : i32
          %select_n3A_84 = arith.select %eq3A_82, %jit3A_83, %jit3A : i32
          %rem3A = arith.remsi %scan3A_29, %select_n3A_84 : i32
          %ne3A = arith.constant 0 : i32
          %ne3A_85 = arith.cmpi ne, %rem3A, %ne3A : i32
          %lt3A_86 = arith.constant 0 : i32
          %lt3A_87 = arith.cmpi slt, %rem3A, %lt3A_86 : i32
          %lt3A_88 = arith.constant 0 : i32
          %lt3A_89 = arith.cmpi slt, %select_n3A_84, %lt3A_88 : i32
          %ne3A_90 = arith.xori %lt3A_87, %lt3A_89 : i1
          %and3A_91 = arith.andi %ne3A_90, %ne3A_85 : i1
          %add3A_92 = arith.addi %rem3A, %select_n3A_84 : i32
          %select_n3A_93 = arith.select %and3A_91, %add3A_92, %rem3A : i32
          %eq3A_94 = arith.constant 0 : i32
          %eq3A_95 = arith.cmpi eq, %select_n3A_93, %eq3A_94 : i32
          %convert_element_type3A_96 = arith.extui %eq3A_95 : i1 to i32
          %cond3A_97 = arith.constant 0 : i32
          %cond3A_98 = arith.cmpi ne, %convert_element_type3A_96, %cond3A_97 : i32
          scf.if %cond3A_98 {
            %ge3A_120 = arith.constant 0 : i32
            %ge3A_121 = arith.cmpi sge, %scan3A_30, %ge3A_120 : i32
            %convert_element_type3A_122 = arith.extui %ge3A_121 : i1 to i32
            %cond3A_123 = arith.constant 0 : i32
            %cond3A_124 = arith.cmpi ne, %convert_element_type3A_122, %cond3A_123 : i32
            scf.if %cond3A_124 {
              %dma_wait3A = arith.constant 0 : i32
              %dma_wait3A_490 = tpu.memref_slice %arg4[%scan3A_30, %dma_wait3A] : memref<131072x128xf32, #tpu.memory_space<hbm>> -> memref<128x128xf32, #tpu.memory_space<hbm>>
              %dma_wait3A_491 = arith.constant 0 : i32
              %dma_wait3A_492 = tpu.memref_slice %arg4[%scan3A_30, %dma_wait3A_491] : memref<131072x128xf32, #tpu.memory_space<hbm>> -> memref<128x128xf32, #tpu.memory_space<hbm>>
              tpu.wait_dma2 semaphore(%arg13 : memref<!tpu.dma_semaphore, #tpu.memory_space<semaphore_mem>>) src(%arg5 : memref<128x128xf32, #tpu.memory_space<vmem>>) dst(%dma_wait3A_492 : memref<128x128xf32, #tpu.memory_space<hbm>>)
            } else {
            }
            %iota3A = tpu.iota {dimensions = array<i32: 0>} : vector<16xi32>
            %add3A_125 = arith.constant 0 : i32
            %add3A_126 = vector.broadcast %add3A_125 : i32 to vector<16xi32>
            %add3A_127 = arith.addi %iota3A, %add3A_126 : vector<16xi32>
            %shift_right_arithmetic3A = arith.constant 3 : i32
            %shift_right_arithmetic3A_128 = vector.broadcast %shift_right_arithmetic3A : i32 to vector<16xi32>
            %shift_right_arithmetic3A_129 = arith.shrsi %add3A_127, %shift_right_arithmetic3A_128 : vector<16xi32>
            %and3A_130 = arith.constant 3 : i32
            %and3A_131 = vector.broadcast %and3A_130 : i32 to vector<16xi32>
            %and3A_132 = arith.andi %shift_right_arithmetic3A_129, %and3A_131 : vector<16xi32>
            %shift_right_arithmetic3A_133 = arith.constant 5 : i32
            %shift_right_arithmetic3A_134 = vector.broadcast %shift_right_arithmetic3A_133 : i32 to vector<16xi32>
            %shift_right_arithmetic3A_135 = arith.shrsi %add3A_127, %shift_right_arithmetic3A_134 : vector<16xi32>
            %shift_left3A = arith.constant 3 : i32
            %shift_left3A_136 = vector.broadcast %shift_left3A : i32 to vector<16xi32>
            %shift_left3A_137 = arith.shli %shift_right_arithmetic3A_135, %shift_left3A_136 : vector<16xi32>
            %add3A_138 = vector.broadcast %squeeze3A_66 : i32 to vector<16xi32>
            %add3A_139 = arith.addi %add3A_138, %shift_left3A_137 : vector<16xi32>
            %and3A_140 = arith.constant 7 : i32
            %and3A_141 = vector.broadcast %and3A_140 : i32 to vector<16xi32>
            %and3A_142 = arith.andi %add3A_127, %and3A_141 : vector<16xi32>
            %add3A_143 = arith.addi %add3A_139, %and3A_142 : vector<16xi32>
            %jit3A_144 = arith.constant 0 : i32
            %jit3A_145 = arith.constant 16383 : i32
            %max3A_146 = vector.broadcast %jit3A_144 : i32 to vector<16xi32>
            %max3A_147 = arith.maxsi %max3A_146, %add3A_143 : vector<16xi32>
            %min3A = vector.broadcast %jit3A_145 : i32 to vector<16xi32>
            %min3A_148 = arith.minsi %min3A, %max3A_147 : vector<16xi32>
            %shift_right_arithmetic3A_149 = arith.constant 3 : i32
            %shift_right_arithmetic3A_150 = vector.broadcast %shift_right_arithmetic3A_149 : i32 to vector<16xi32>
            %shift_right_arithmetic3A_151 = arith.shrsi %min3A_148, %shift_right_arithmetic3A_150 : vector<16xi32>
            %shift_left3A_152 = arith.constant 5 : i32
            %shift_left3A_153 = vector.broadcast %shift_left3A_152 : i32 to vector<16xi32>
            %shift_left3A_154 = arith.shli %shift_right_arithmetic3A_151, %shift_left3A_153 : vector<16xi32>
            %shift_left3A_155 = arith.constant 3 : i32
            %shift_left3A_156 = vector.broadcast %shift_left3A_155 : i32 to vector<16xi32>
            %shift_left3A_157 = arith.shli %and3A_132, %shift_left3A_156 : vector<16xi32>
            %add3A_158 = arith.addi %shift_left3A_154, %shift_left3A_157 : vector<16xi32>
            %and3A_159 = arith.constant 7 : i32
            %and3A_160 = vector.broadcast %and3A_159 : i32 to vector<16xi32>
            %and3A_161 = arith.andi %min3A_148, %and3A_160 : vector<16xi32>
            %add3A_162 = arith.addi %add3A_158, %and3A_161 : vector<16xi32>
            %swap3A = arith.constant 0 : index
            %swap3A_163 = tpu.vector_load %arg9[%swap3A] {strides = array<i32>} : memref<128xi32, #tpu.memory_space<vmem>>, vector<16xi32>,
            %swap3A_164 = vector.shape_cast %swap3A_163 : vector<16xi32> to vector<16xi32>
            %swap3A_165 = vector.shape_cast %add3A_162 : vector<16xi32> to vector<16xi32>
            tpu.vector_store %arg9[%swap3A], %swap3A_165 {strides = array<i32>} : memref<128xi32, #tpu.memory_space<vmem>>, vector<16xi32>,
            %iota3A_166 = tpu.iota {dimensions = array<i32: 0>} : vector<16xi32>
            %add3A_167 = arith.constant 16 : i32
            %add3A_168 = vector.broadcast %add3A_167 : i32 to vector<16xi32>
            %add3A_169 = arith.addi %iota3A_166, %add3A_168 : vector<16xi32>
            %shift_right_arithmetic3A_170 = arith.constant 3 : i32
            %shift_right_arithmetic3A_171 = vector.broadcast %shift_right_arithmetic3A_170 : i32 to vector<16xi32>
            %shift_right_arithmetic3A_172 = arith.shrsi %add3A_169, %shift_right_arithmetic3A_171 : vector<16xi32>
            %and3A_173 = arith.constant 3 : i32
            %and3A_174 = vector.broadcast %and3A_173 : i32 to vector<16xi32>
            %and3A_175 = arith.andi %shift_right_arithmetic3A_172, %and3A_174 : vector<16xi32>
            %shift_right_arithmetic3A_176 = arith.constant 5 : i32
            %shift_right_arithmetic3A_177 = vector.broadcast %shift_right_arithmetic3A_176 : i32 to vector<16xi32>
            %shift_right_arithmetic3A_178 = arith.shrsi %add3A_169, %shift_right_arithmetic3A_177 : vector<16xi32>
            %shift_left3A_179 = arith.constant 3 : i32
            %shift_left3A_180 = vector.broadcast %shift_left3A_179 : i32 to vector<16xi32>
            %shift_left3A_181 = arith.shli %shift_right_arithmetic3A_178, %shift_left3A_180 : vector<16xi32>
            %add3A_182 = vector.broadcast %squeeze3A_66 : i32 to vector<16xi32>
            %add3A_183 = arith.addi %add3A_182, %shift_left3A_181 : vector<16xi32>
            %and3A_184 = arith.constant 7 : i32
            %and3A_185 = vector.broadcast %and3A_184 : i32 to vector<16xi32>
            %and3A_186 = arith.andi %add3A_169, %and3A_185 : vector<16xi32>
            %add3A_187 = arith.addi %add3A_183, %and3A_186 : vector<16xi32>
            %jit3A_188 = arith.constant 0 : i32
            %jit3A_189 = arith.constant 16383 : i32
            %max3A_190 = vector.broadcast %jit3A_188 : i32 to vector<16xi32>
            %max3A_191 = arith.maxsi %max3A_190, %add3A_187 : vector<16xi32>
            %min3A_192 = vector.broadcast %jit3A_189 : i32 to vector<16xi32>
            %min3A_193 = arith.minsi %min3A_192, %max3A_191 : vector<16xi32>
            %shift_right_arithmetic3A_194 = arith.constant 3 : i32
            %shift_right_arithmetic3A_195 = vector.broadcast %shift_right_arithmetic3A_194 : i32 to vector<16xi32>
            %shift_right_arithmetic3A_196 = arith.shrsi %min3A_193, %shift_right_arithmetic3A_195 : vector<16xi32>
            %shift_left3A_197 = arith.constant 5 : i32
            %shift_left3A_198 = vector.broadcast %shift_left3A_197 : i32 to vector<16xi32>
            %shift_left3A_199 = arith.shli %shift_right_arithmetic3A_196, %shift_left3A_198 : vector<16xi32>
            %shift_left3A_200 = arith.constant 3 : i32
            %shift_left3A_201 = vector.broadcast %shift_left3A_200 : i32 to vector<16xi32>
            %shift_left3A_202 = arith.shli %and3A_175, %shift_left3A_201 : vector<16xi32>
            %add3A_203 = arith.addi %shift_left3A_199, %shift_left3A_202 : vector<16xi32>
            %and3A_204 = arith.constant 7 : i32
            %and3A_205 = vector.broadcast %and3A_204 : i32 to vector<16xi32>
            %and3A_206 = arith.andi %min3A_193, %and3A_205 : vector<16xi32>
            %add3A_207 = arith.addi %add3A_203, %and3A_206 : vector<16xi32>
            %swap3A_208 = arith.constant 16 : index
            %swap3A_209 = tpu.vector_load %arg9[%swap3A_208] {strides = array<i32>} : memref<128xi32, #tpu.memory_space<vmem>>, vector<16xi32>,
            %swap3A_210 = vector.shape_cast %swap3A_209 : vector<16xi32> to vector<16xi32>
            %swap3A_211 = vector.shape_cast %add3A_207 : vector<16xi32> to vector<16xi32>
            tpu.vector_store %arg9[%swap3A_208], %swap3A_211 {strides = array<i32>} : memref<128xi32, #tpu.memory_space<vmem>>, vector<16xi32>,
            %iota3A_212 = tpu.iota {dimensions = array<i32: 0>} : vector<16xi32>
            %add3A_213 = arith.constant 32 : i32
            %add3A_214 = vector.broadcast %add3A_213 : i32 to vector<16xi32>
            %add3A_215 = arith.addi %iota3A_212, %add3A_214 : vector<16xi32>
            %shift_right_arithmetic3A_216 = arith.constant 3 : i32
            %shift_right_arithmetic3A_217 = vector.broadcast %shift_right_arithmetic3A_216 : i32 to vector<16xi32>
            %shift_right_arithmetic3A_218 = arith.shrsi %add3A_215, %shift_right_arithmetic3A_217 : vector<16xi32>
            %and3A_219 = arith.constant 3 : i32
            %and3A_220 = vector.broadcast %and3A_219 : i32 to vector<16xi32>
            %and3A_221 = arith.andi %shift_right_arithmetic3A_218, %and3A_220 : vector<16xi32>
            %shift_right_arithmetic3A_222 = arith.constant 5 : i32
            %shift_right_arithmetic3A_223 = vector.broadcast %shift_right_arithmetic3A_222 : i32 to vector<16xi32>
            %shift_right_arithmetic3A_224 = arith.shrsi %add3A_215, %shift_right_arithmetic3A_223 : vector<16xi32>
            %shift_left3A_225 = arith.constant 3 : i32
            %shift_left3A_226 = vector.broadcast %shift_left3A_225 : i32 to vector<16xi32>
            %shift_left3A_227 = arith.shli %shift_right_arithmetic3A_224, %shift_left3A_226 : vector<16xi32>
            %add3A_228 = vector.broadcast %squeeze3A_66 : i32 to vector<16xi32>
            %add3A_229 = arith.addi %add3A_228, %shift_left3A_227 : vector<16xi32>
            %and3A_230 = arith.constant 7 : i32
            %and3A_231 = vector.broadcast %and3A_230 : i32 to vector<16xi32>
            %and3A_232 = arith.andi %add3A_215, %and3A_231 : vector<16xi32>
            %add3A_233 = arith.addi %add3A_229, %and3A_232 : vector<16xi32>
            %jit3A_234 = arith.constant 0 : i32
            %jit3A_235 = arith.constant 16383 : i32
            %max3A_236 = vector.broadcast %jit3A_234 : i32 to vector<16xi32>
            %max3A_237 = arith.maxsi %max3A_236, %add3A_233 : vector<16xi32>
            %min3A_238 = vector.broadcast %jit3A_235 : i32 to vector<16xi32>
            %min3A_239 = arith.minsi %min3A_238, %max3A_237 : vector<16xi32>
            %shift_right_arithmetic3A_240 = arith.constant 3 : i32
            %shift_right_arithmetic3A_241 = vector.broadcast %shift_right_arithmetic3A_240 : i32 to vector<16xi32>
            %shift_right_arithmetic3A_242 = arith.shrsi %min3A_239, %shift_right_arithmetic3A_241 : vector<16xi32>
            %shift_left3A_243 = arith.constant 5 : i32
            %shift_left3A_244 = vector.broadcast %shift_left3A_243 : i32 to vector<16xi32>
            %shift_left3A_245 = arith.shli %shift_right_arithmetic3A_242, %shift_left3A_244 : vector<16xi32>
            %shift_left3A_246 = arith.constant 3 : i32
            %shift_left3A_247 = vector.broadcast %shift_left3A_246 : i32 to vector<16xi32>
            %shift_left3A_248 = arith.shli %and3A_221, %shift_left3A_247 : vector<16xi32>
            %add3A_249 = arith.addi %shift_left3A_245, %shift_left3A_248 : vector<16xi32>
            %and3A_250 = arith.constant 7 : i32
            %and3A_251 = vector.broadcast %and3A_250 : i32 to vector<16xi32>
            %and3A_252 = arith.andi %min3A_239, %and3A_251 : vector<16xi32>
            %add3A_253 = arith.addi %add3A_249, %and3A_252 : vector<16xi32>
            %swap3A_254 = arith.constant 32 : index
            %swap3A_255 = tpu.vector_load %arg9[%swap3A_254] {strides = array<i32>} : memref<128xi32, #tpu.memory_space<vmem>>, vector<16xi32>,
            %swap3A_256 = vector.shape_cast %swap3A_255 : vector<16xi32> to vector<16xi32>
            %swap3A_257 = vector.shape_cast %add3A_253 : vector<16xi32> to vector<16xi32>
            tpu.vector_store %arg9[%swap3A_254], %swap3A_257 {strides = array<i32>} : memref<128xi32, #tpu.memory_space<vmem>>, vector<16xi32>,
            %iota3A_258 = tpu.iota {dimensions = array<i32: 0>} : vector<16xi32>
            %add3A_259 = arith.constant 48 : i32
            %add3A_260 = vector.broadcast %add3A_259 : i32 to vector<16xi32>
            %add3A_261 = arith.addi %iota3A_258, %add3A_260 : vector<16xi32>
            %shift_right_arithmetic3A_262 = arith.constant 3 : i32
            %shift_right_arithmetic3A_263 = vector.broadcast %shift_right_arithmetic3A_262 : i32 to vector<16xi32>
            %shift_right_arithmetic3A_264 = arith.shrsi %add3A_261, %shift_right_arithmetic3A_263 : vector<16xi32>
            %and3A_265 = arith.constant 3 : i32
            %and3A_266 = vector.broadcast %and3A_265 : i32 to vector<16xi32>
            %and3A_267 = arith.andi %shift_right_arithmetic3A_264, %and3A_266 : vector<16xi32>
            %shift_right_arithmetic3A_268 = arith.constant 5 : i32
            %shift_right_arithmetic3A_269 = vector.broadcast %shift_right_arithmetic3A_268 : i32 to vector<16xi32>
            %shift_right_arithmetic3A_270 = arith.shrsi %add3A_261, %shift_right_arithmetic3A_269 : vector<16xi32>
            %shift_left3A_271 = arith.constant 3 : i32
            %shift_left3A_272 = vector.broadcast %shift_left3A_271 : i32 to vector<16xi32>
            %shift_left3A_273 = arith.shli %shift_right_arithmetic3A_270, %shift_left3A_272 : vector<16xi32>
            %add3A_274 = vector.broadcast %squeeze3A_66 : i32 to vector<16xi32>
            %add3A_275 = arith.addi %add3A_274, %shift_left3A_273 : vector<16xi32>
            %and3A_276 = arith.constant 7 : i32
            %and3A_277 = vector.broadcast %and3A_276 : i32 to vector<16xi32>
            %and3A_278 = arith.andi %add3A_261, %and3A_277 : vector<16xi32>
            %add3A_279 = arith.addi %add3A_275, %and3A_278 : vector<16xi32>
            %jit3A_280 = arith.constant 0 : i32
            %jit3A_281 = arith.constant 16383 : i32
            %max3A_282 = vector.broadcast %jit3A_280 : i32 to vector<16xi32>
            %max3A_283 = arith.maxsi %max3A_282, %add3A_279 : vector<16xi32>
            %min3A_284 = vector.broadcast %jit3A_281 : i32 to vector<16xi32>
            %min3A_285 = arith.minsi %min3A_284, %max3A_283 : vector<16xi32>
            %shift_right_arithmetic3A_286 = arith.constant 3 : i32
            %shift_right_arithmetic3A_287 = vector.broadcast %shift_right_arithmetic3A_286 : i32 to vector<16xi32>
            %shift_right_arithmetic3A_288 = arith.shrsi %min3A_285, %shift_right_arithmetic3A_287 : vector<16xi32>
            %shift_left3A_289 = arith.constant 5 : i32
            %shift_left3A_290 = vector.broadcast %shift_left3A_289 : i32 to vector<16xi32>
            %shift_left3A_291 = arith.shli %shift_right_arithmetic3A_288, %shift_left3A_290 : vector<16xi32>
            %shift_left3A_292 = arith.constant 3 : i32
            %shift_left3A_293 = vector.broadcast %shift_left3A_292 : i32 to vector<16xi32>
            %shift_left3A_294 = arith.shli %and3A_267, %shift_left3A_293 : vector<16xi32>
            %add3A_295 = arith.addi %shift_left3A_291, %shift_left3A_294 : vector<16xi32>
            %and3A_296 = arith.constant 7 : i32
            %and3A_297 = vector.broadcast %and3A_296 : i32 to vector<16xi32>
            %and3A_298 = arith.andi %min3A_285, %and3A_297 : vector<16xi32>
            %add3A_299 = arith.addi %add3A_295, %and3A_298 : vector<16xi32>
            %swap3A_300 = arith.constant 48 : index
            %swap3A_301 = tpu.vector_load %arg9[%swap3A_300] {strides = array<i32>} : memref<128xi32, #tpu.memory_space<vmem>>, vector<16xi32>,
            %swap3A_302 = vector.shape_cast %swap3A_301 : vector<16xi32> to vector<16xi32>
            %swap3A_303 = vector.shape_cast %add3A_299 : vector<16xi32> to vector<16xi32>
            tpu.vector_store %arg9[%swap3A_300], %swap3A_303 {strides = array<i32>} : memref<128xi32, #tpu.memory_space<vmem>>, vector<16xi32>,
            %iota3A_304 = tpu.iota {dimensions = array<i32: 0>} : vector<16xi32>
            %add3A_305 = arith.constant 64 : i32
            %add3A_306 = vector.broadcast %add3A_305 : i32 to vector<16xi32>
            %add3A_307 = arith.addi %iota3A_304, %add3A_306 : vector<16xi32>
            %shift_right_arithmetic3A_308 = arith.constant 3 : i32
            %shift_right_arithmetic3A_309 = vector.broadcast %shift_right_arithmetic3A_308 : i32 to vector<16xi32>
            %shift_right_arithmetic3A_310 = arith.shrsi %add3A_307, %shift_right_arithmetic3A_309 : vector<16xi32>
            %and3A_311 = arith.constant 3 : i32
            %and3A_312 = vector.broadcast %and3A_311 : i32 to vector<16xi32>
            %and3A_313 = arith.andi %shift_right_arithmetic3A_310, %and3A_312 : vector<16xi32>
            %shift_right_arithmetic3A_314 = arith.constant 5 : i32
            %shift_right_arithmetic3A_315 = vector.broadcast %shift_right_arithmetic3A_314 : i32 to vector<16xi32>
            %shift_right_arithmetic3A_316 = arith.shrsi %add3A_307, %shift_right_arithmetic3A_315 : vector<16xi32>
            %shift_left3A_317 = arith.constant 3 : i32
            %shift_left3A_318 = vector.broadcast %shift_left3A_317 : i32 to vector<16xi32>
            %shift_left3A_319 = arith.shli %shift_right_arithmetic3A_316, %shift_left3A_318 : vector<16xi32>
            %add3A_320 = vector.broadcast %squeeze3A_66 : i32 to vector<16xi32>
            %add3A_321 = arith.addi %add3A_320, %shift_left3A_319 : vector<16xi32>
            %and3A_322 = arith.constant 7 : i32
            %and3A_323 = vector.broadcast %and3A_322 : i32 to vector<16xi32>
            %and3A_324 = arith.andi %add3A_307, %and3A_323 : vector<16xi32>
            %add3A_325 = arith.addi %add3A_321, %and3A_324 : vector<16xi32>
            %jit3A_326 = arith.constant 0 : i32
            %jit3A_327 = arith.constant 16383 : i32
            %max3A_328 = vector.broadcast %jit3A_326 : i32 to vector<16xi32>
            %max3A_329 = arith.maxsi %max3A_328, %add3A_325 : vector<16xi32>
            %min3A_330 = vector.broadcast %jit3A_327 : i32 to vector<16xi32>
            %min3A_331 = arith.minsi %min3A_330, %max3A_329 : vector<16xi32>
            %shift_right_arithmetic3A_332 = arith.constant 3 : i32
            %shift_right_arithmetic3A_333 = vector.broadcast %shift_right_arithmetic3A_332 : i32 to vector<16xi32>
            %shift_right_arithmetic3A_334 = arith.shrsi %min3A_331, %shift_right_arithmetic3A_333 : vector<16xi32>
            %shift_left3A_335 = arith.constant 5 : i32
            %shift_left3A_336 = vector.broadcast %shift_left3A_335 : i32 to vector<16xi32>
            %shift_left3A_337 = arith.shli %shift_right_arithmetic3A_334, %shift_left3A_336 : vector<16xi32>
            %shift_left3A_338 = arith.constant 3 : i32
            %shift_left3A_339 = vector.broadcast %shift_left3A_338 : i32 to vector<16xi32>
            %shift_left3A_340 = arith.shli %and3A_313, %shift_left3A_339 : vector<16xi32>
            %add3A_341 = arith.addi %shift_left3A_337, %shift_left3A_340 : vector<16xi32>
            %and3A_342 = arith.constant 7 : i32
            %and3A_343 = vector.broadcast %and3A_342 : i32 to vector<16xi32>
            %and3A_344 = arith.andi %min3A_331, %and3A_343 : vector<16xi32>
            %add3A_345 = arith.addi %add3A_341, %and3A_344 : vector<16xi32>
            %swap3A_346 = arith.constant 64 : index
            %swap3A_347 = tpu.vector_load %arg9[%swap3A_346] {strides = array<i32>} : memref<128xi32, #tpu.memory_space<vmem>>, vector<16xi32>,
            %swap3A_348 = vector.shape_cast %swap3A_347 : vector<16xi32> to vector<16xi32>
            %swap3A_349 = vector.shape_cast %add3A_345 : vector<16xi32> to vector<16xi32>
            tpu.vector_store %arg9[%swap3A_346], %swap3A_349 {strides = array<i32>} : memref<128xi32, #tpu.memory_space<vmem>>, vector<16xi32>,
            %iota3A_350 = tpu.iota {dimensions = array<i32: 0>} : vector<16xi32>
            %add3A_351 = arith.constant 80 : i32
            %add3A_352 = vector.broadcast %add3A_351 : i32 to vector<16xi32>
            %add3A_353 = arith.addi %iota3A_350, %add3A_352 : vector<16xi32>
            %shift_right_arithmetic3A_354 = arith.constant 3 : i32
            %shift_right_arithmetic3A_355 = vector.broadcast %shift_right_arithmetic3A_354 : i32 to vector<16xi32>
            %shift_right_arithmetic3A_356 = arith.shrsi %add3A_353, %shift_right_arithmetic3A_355 : vector<16xi32>
            %and3A_357 = arith.constant 3 : i32
            %and3A_358 = vector.broadcast %and3A_357 : i32 to vector<16xi32>
            %and3A_359 = arith.andi %shift_right_arithmetic3A_356, %and3A_358 : vector<16xi32>
            %shift_right_arithmetic3A_360 = arith.constant 5 : i32
            %shift_right_arithmetic3A_361 = vector.broadcast %shift_right_arithmetic3A_360 : i32 to vector<16xi32>
            %shift_right_arithmetic3A_362 = arith.shrsi %add3A_353, %shift_right_arithmetic3A_361 : vector<16xi32>
            %shift_left3A_363 = arith.constant 3 : i32
            %shift_left3A_364 = vector.broadcast %shift_left3A_363 : i32 to vector<16xi32>
            %shift_left3A_365 = arith.shli %shift_right_arithmetic3A_362, %shift_left3A_364 : vector<16xi32>
            %add3A_366 = vector.broadcast %squeeze3A_66 : i32 to vector<16xi32>
            %add3A_367 = arith.addi %add3A_366, %shift_left3A_365 : vector<16xi32>
            %and3A_368 = arith.constant 7 : i32
            %and3A_369 = vector.broadcast %and3A_368 : i32 to vector<16xi32>
            %and3A_370 = arith.andi %add3A_353, %and3A_369 : vector<16xi32>
            %add3A_371 = arith.addi %add3A_367, %and3A_370 : vector<16xi32>
            %jit3A_372 = arith.constant 0 : i32
            %jit3A_373 = arith.constant 16383 : i32
            %max3A_374 = vector.broadcast %jit3A_372 : i32 to vector<16xi32>
            %max3A_375 = arith.maxsi %max3A_374, %add3A_371 : vector<16xi32>
            %min3A_376 = vector.broadcast %jit3A_373 : i32 to vector<16xi32>
            %min3A_377 = arith.minsi %min3A_376, %max3A_375 : vector<16xi32>
            %shift_right_arithmetic3A_378 = arith.constant 3 : i32
            %shift_right_arithmetic3A_379 = vector.broadcast %shift_right_arithmetic3A_378 : i32 to vector<16xi32>
            %shift_right_arithmetic3A_380 = arith.shrsi %min3A_377, %shift_right_arithmetic3A_379 : vector<16xi32>
            %shift_left3A_381 = arith.constant 5 : i32
            %shift_left3A_382 = vector.broadcast %shift_left3A_381 : i32 to vector<16xi32>
            %shift_left3A_383 = arith.shli %shift_right_arithmetic3A_380, %shift_left3A_382 : vector<16xi32>
            %shift_left3A_384 = arith.constant 3 : i32
            %shift_left3A_385 = vector.broadcast %shift_left3A_384 : i32 to vector<16xi32>
            %shift_left3A_386 = arith.shli %and3A_359, %shift_left3A_385 : vector<16xi32>
            %add3A_387 = arith.addi %shift_left3A_383, %shift_left3A_386 : vector<16xi32>
            %and3A_388 = arith.constant 7 : i32
            %and3A_389 = vector.broadcast %and3A_388 : i32 to vector<16xi32>
            %and3A_390 = arith.andi %min3A_377, %and3A_389 : vector<16xi32>
            %add3A_391 = arith.addi %add3A_387, %and3A_390 : vector<16xi32>
            %swap3A_392 = arith.constant 80 : index
            %swap3A_393 = tpu.vector_load %arg9[%swap3A_392] {strides = array<i32>} : memref<128xi32, #tpu.memory_space<vmem>>, vector<16xi32>,
            %swap3A_394 = vector.shape_cast %swap3A_393 : vector<16xi32> to vector<16xi32>
            %swap3A_395 = vector.shape_cast %add3A_391 : vector<16xi32> to vector<16xi32>
            tpu.vector_store %arg9[%swap3A_392], %swap3A_395 {strides = array<i32>} : memref<128xi32, #tpu.memory_space<vmem>>, vector<16xi32>,
            %iota3A_396 = tpu.iota {dimensions = array<i32: 0>} : vector<16xi32>
            %add3A_397 = arith.constant 96 : i32
            %add3A_398 = vector.broadcast %add3A_397 : i32 to vector<16xi32>
            %add3A_399 = arith.addi %iota3A_396, %add3A_398 : vector<16xi32>
            %shift_right_arithmetic3A_400 = arith.constant 3 : i32
            %shift_right_arithmetic3A_401 = vector.broadcast %shift_right_arithmetic3A_400 : i32 to vector<16xi32>
            %shift_right_arithmetic3A_402 = arith.shrsi %add3A_399, %shift_right_arithmetic3A_401 : vector<16xi32>
            %and3A_403 = arith.constant 3 : i32
            %and3A_404 = vector.broadcast %and3A_403 : i32 to vector<16xi32>
            %and3A_405 = arith.andi %shift_right_arithmetic3A_402, %and3A_404 : vector<16xi32>
            %shift_right_arithmetic3A_406 = arith.constant 5 : i32
            %shift_right_arithmetic3A_407 = vector.broadcast %shift_right_arithmetic3A_406 : i32 to vector<16xi32>
            %shift_right_arithmetic3A_408 = arith.shrsi %add3A_399, %shift_right_arithmetic3A_407 : vector<16xi32>
            %shift_left3A_409 = arith.constant 3 : i32
            %shift_left3A_410 = vector.broadcast %shift_left3A_409 : i32 to vector<16xi32>
            %shift_left3A_411 = arith.shli %shift_right_arithmetic3A_408, %shift_left3A_410 : vector<16xi32>
            %add3A_412 = vector.broadcast %squeeze3A_66 : i32 to vector<16xi32>
            %add3A_413 = arith.addi %add3A_412, %shift_left3A_411 : vector<16xi32>
            %and3A_414 = arith.constant 7 : i32
            %and3A_415 = vector.broadcast %and3A_414 : i32 to vector<16xi32>
            %and3A_416 = arith.andi %add3A_399, %and3A_415 : vector<16xi32>
            %add3A_417 = arith.addi %add3A_413, %and3A_416 : vector<16xi32>
            %jit3A_418 = arith.constant 0 : i32
            %jit3A_419 = arith.constant 16383 : i32
            %max3A_420 = vector.broadcast %jit3A_418 : i32 to vector<16xi32>
            %max3A_421 = arith.maxsi %max3A_420, %add3A_417 : vector<16xi32>
            %min3A_422 = vector.broadcast %jit3A_419 : i32 to vector<16xi32>
            %min3A_423 = arith.minsi %min3A_422, %max3A_421 : vector<16xi32>
            %shift_right_arithmetic3A_424 = arith.constant 3 : i32
            %shift_right_arithmetic3A_425 = vector.broadcast %shift_right_arithmetic3A_424 : i32 to vector<16xi32>
            %shift_right_arithmetic3A_426 = arith.shrsi %min3A_423, %shift_right_arithmetic3A_425 : vector<16xi32>
            %shift_left3A_427 = arith.constant 5 : i32
            %shift_left3A_428 = vector.broadcast %shift_left3A_427 : i32 to vector<16xi32>
            %shift_left3A_429 = arith.shli %shift_right_arithmetic3A_426, %shift_left3A_428 : vector<16xi32>
            %shift_left3A_430 = arith.constant 3 : i32
            %shift_left3A_431 = vector.broadcast %shift_left3A_430 : i32 to vector<16xi32>
            %shift_left3A_432 = arith.shli %and3A_405, %shift_left3A_431 : vector<16xi32>
            %add3A_433 = arith.addi %shift_left3A_429, %shift_left3A_432 : vector<16xi32>
            %and3A_434 = arith.constant 7 : i32
            %and3A_435 = vector.broadcast %and3A_434 : i32 to vector<16xi32>
            %and3A_436 = arith.andi %min3A_423, %and3A_435 : vector<16xi32>
            %add3A_437 = arith.addi %add3A_433, %and3A_436 : vector<16xi32>
            %swap3A_438 = arith.constant 96 : index
            %swap3A_439 = tpu.vector_load %arg9[%swap3A_438] {strides = array<i32>} : memref<128xi32, #tpu.memory_space<vmem>>, vector<16xi32>,
            %swap3A_440 = vector.shape_cast %swap3A_439 : vector<16xi32> to vector<16xi32>
            %swap3A_441 = vector.shape_cast %add3A_437 : vector<16xi32> to vector<16xi32>
            tpu.vector_store %arg9[%swap3A_438], %swap3A_441 {strides = array<i32>} : memref<128xi32, #tpu.memory_space<vmem>>, vector<16xi32>,
            %iota3A_442 = tpu.iota {dimensions = array<i32: 0>} : vector<16xi32>
            %add3A_443 = arith.constant 112 : i32
            %add3A_444 = vector.broadcast %add3A_443 : i32 to vector<16xi32>
            %add3A_445 = arith.addi %iota3A_442, %add3A_444 : vector<16xi32>
            %shift_right_arithmetic3A_446 = arith.constant 3 : i32
            %shift_right_arithmetic3A_447 = vector.broadcast %shift_right_arithmetic3A_446 : i32 to vector<16xi32>
            %shift_right_arithmetic3A_448 = arith.shrsi %add3A_445, %shift_right_arithmetic3A_447 : vector<16xi32>
            %and3A_449 = arith.constant 3 : i32
            %and3A_450 = vector.broadcast %and3A_449 : i32 to vector<16xi32>
            %and3A_451 = arith.andi %shift_right_arithmetic3A_448, %and3A_450 : vector<16xi32>
            %shift_right_arithmetic3A_452 = arith.constant 5 : i32
            %shift_right_arithmetic3A_453 = vector.broadcast %shift_right_arithmetic3A_452 : i32 to vector<16xi32>
            %shift_right_arithmetic3A_454 = arith.shrsi %add3A_445, %shift_right_arithmetic3A_453 : vector<16xi32>
            %shift_left3A_455 = arith.constant 3 : i32
            %shift_left3A_456 = vector.broadcast %shift_left3A_455 : i32 to vector<16xi32>
            %shift_left3A_457 = arith.shli %shift_right_arithmetic3A_454, %shift_left3A_456 : vector<16xi32>
            %add3A_458 = vector.broadcast %squeeze3A_66 : i32 to vector<16xi32>
            %add3A_459 = arith.addi %add3A_458, %shift_left3A_457 : vector<16xi32>
            %and3A_460 = arith.constant 7 : i32
            %and3A_461 = vector.broadcast %and3A_460 : i32 to vector<16xi32>
            %and3A_462 = arith.andi %add3A_445, %and3A_461 : vector<16xi32>
            %add3A_463 = arith.addi %add3A_459, %and3A_462 : vector<16xi32>
            %jit3A_464 = arith.constant 0 : i32
            %jit3A_465 = arith.constant 16383 : i32
            %max3A_466 = vector.broadcast %jit3A_464 : i32 to vector<16xi32>
            %max3A_467 = arith.maxsi %max3A_466, %add3A_463 : vector<16xi32>
            %min3A_468 = vector.broadcast %jit3A_465 : i32 to vector<16xi32>
            %min3A_469 = arith.minsi %min3A_468, %max3A_467 : vector<16xi32>
            %shift_right_arithmetic3A_470 = arith.constant 3 : i32
            %shift_right_arithmetic3A_471 = vector.broadcast %shift_right_arithmetic3A_470 : i32 to vector<16xi32>
            %shift_right_arithmetic3A_472 = arith.shrsi %min3A_469, %shift_right_arithmetic3A_471 : vector<16xi32>
            %shift_left3A_473 = arith.constant 5 : i32
            %shift_left3A_474 = vector.broadcast %shift_left3A_473 : i32 to vector<16xi32>
            %shift_left3A_475 = arith.shli %shift_right_arithmetic3A_472, %shift_left3A_474 : vector<16xi32>
            %shift_left3A_476 = arith.constant 3 : i32
            %shift_left3A_477 = vector.broadcast %shift_left3A_476 : i32 to vector<16xi32>
            %shift_left3A_478 = arith.shli %and3A_451, %shift_left3A_477 : vector<16xi32>
            %add3A_479 = arith.addi %shift_left3A_475, %shift_left3A_478 : vector<16xi32>
            %and3A_480 = arith.constant 7 : i32
            %and3A_481 = vector.broadcast %and3A_480 : i32 to vector<16xi32>
            %and3A_482 = arith.andi %min3A_469, %and3A_481 : vector<16xi32>
            %add3A_483 = arith.addi %add3A_479, %and3A_482 : vector<16xi32>
            %swap3A_484 = arith.constant 112 : index
            %swap3A_485 = tpu.vector_load %arg9[%swap3A_484] {strides = array<i32>} : memref<128xi32, #tpu.memory_space<vmem>>, vector<16xi32>,
            %swap3A_486 = vector.shape_cast %swap3A_485 : vector<16xi32> to vector<16xi32>
            %swap3A_487 = vector.shape_cast %add3A_483 : vector<16xi32> to vector<16xi32>
            tpu.vector_store %arg9[%swap3A_484], %swap3A_487 {strides = array<i32>} : memref<128xi32, #tpu.memory_space<vmem>>, vector<16xi32>,
            %dma_start3A = arith.constant 0 : i32
            %dma_start3A_488 = arith.constant 0 : i32
            %dma_start3A_489 = tpu.memref_slice %arg2[%dma_start3A, %dma_start3A_488] : memref<65536x128xf32, #tpu.memory_space<hbm>> -> memref<65536x128xf32, #tpu.memory_space<hbm>>
            tpu.enqueue_indirect_dma source(%dma_start3A_489 : memref<65536x128xf32, #tpu.memory_space<hbm>>) target(%arg5 : memref<128x128xf32, #tpu.memory_space<vmem>>) offsets(%arg9 : memref<128xi32, #tpu.memory_space<vmem>>) semaphore(%arg11 : memref<!tpu.dma_semaphore, #tpu.memory_space<semaphore_mem>>)
          } else {
          }
          %jit3A_99 = arith.constant 2 : i32
          %eq3A_100 = arith.constant 0 : i32
          %eq3A_101 = arith.cmpi eq, %jit3A_99, %eq3A_100 : i32
          %jit3A_102 = arith.constant 1 : i32
          %select_n3A_103 = arith.select %eq3A_101, %jit3A_102, %jit3A_99 : i32
          %rem3A_104 = arith.remsi %scan3A_29, %select_n3A_103 : i32
          %ne3A_105 = arith.constant 0 : i32
          %ne3A_106 = arith.cmpi ne, %rem3A_104, %ne3A_105 : i32
          %lt3A_107 = arith.constant 0 : i32
          %lt3A_108 = arith.cmpi slt, %rem3A_104, %lt3A_107 : i32
          %lt3A_109 = arith.constant 0 : i32
          %lt3A_110 = arith.cmpi slt, %select_n3A_103, %lt3A_109 : i32
          %ne3A_111 = arith.xori %lt3A_108, %lt3A_110 : i1
          %and3A_112 = arith.andi %ne3A_111, %ne3A_106 : i1
          %add3A_113 = arith.addi %rem3A_104, %select_n3A_103 : i32
          %select_n3A_114 = arith.select %and3A_112, %add3A_113, %rem3A_104 : i32
          %eq3A_115 = arith.constant 1 : i32
          %eq3A_116 = arith.cmpi eq, %select_n3A_114, %eq3A_115 : i32
          %convert_element_type3A_117 = arith.extui %eq3A_116 : i1 to i32
          %cond3A_118 = arith.constant 0 : i32
          %cond3A_119 = arith.cmpi ne, %convert_element_type3A_117, %cond3A_118 : i32
          scf.if %cond3A_119 {
            %ge3A_120 = arith.constant 0 : i32
            %ge3A_121 = arith.cmpi sge, %scan3A_31, %ge3A_120 : i32
            %convert_element_type3A_122 = arith.extui %ge3A_121 : i1 to i32
            %cond3A_123 = arith.constant 0 : i32
            %cond3A_124 = arith.cmpi ne, %convert_element_type3A_122, %cond3A_123 : i32
            scf.if %cond3A_124 {
              %dma_wait3A = arith.constant 0 : i32
              %dma_wait3A_490 = tpu.memref_slice %arg4[%scan3A_31, %dma_wait3A] : memref<131072x128xf32, #tpu.memory_space<hbm>> -> memref<128x128xf32, #tpu.memory_space<hbm>>
              %dma_wait3A_491 = arith.constant 0 : i32
              %dma_wait3A_492 = tpu.memref_slice %arg4[%scan3A_31, %dma_wait3A_491] : memref<131072x128xf32, #tpu.memory_space<hbm>> -> memref<128x128xf32, #tpu.memory_space<hbm>>
              tpu.wait_dma2 semaphore(%arg14 : memref<!tpu.dma_semaphore, #tpu.memory_space<semaphore_mem>>) src(%arg6 : memref<128x128xf32, #tpu.memory_space<vmem>>) dst(%dma_wait3A_492 : memref<128x128xf32, #tpu.memory_space<hbm>>)
            } else {
            }
            %iota3A = tpu.iota {dimensions = array<i32: 0>} : vector<16xi32>
            %add3A_125 = arith.constant 0 : i32
            %add3A_126 = vector.broadcast %add3A_125 : i32 to vector<16xi32>
            %add3A_127 = arith.addi %iota3A, %add3A_126 : vector<16xi32>
            %shift_right_arithmetic3A = arith.constant 3 : i32
            %shift_right_arithmetic3A_128 = vector.broadcast %shift_right_arithmetic3A : i32 to vector<16xi32>
            %shift_right_arithmetic3A_129 = arith.shrsi %add3A_127, %shift_right_arithmetic3A_128 : vector<16xi32>
            %and3A_130 = arith.constant 3 : i32
            %and3A_131 = vector.broadcast %and3A_130 : i32 to vector<16xi32>
            %and3A_132 = arith.andi %shift_right_arithmetic3A_129, %and3A_131 : vector<16xi32>
            %shift_right_arithmetic3A_133 = arith.constant 5 : i32
            %shift_right_arithmetic3A_134 = vector.broadcast %shift_right_arithmetic3A_133 : i32 to vector<16xi32>
            %shift_right_arithmetic3A_135 = arith.shrsi %add3A_127, %shift_right_arithmetic3A_134 : vector<16xi32>
            %shift_left3A = arith.constant 3 : i32
            %shift_left3A_136 = vector.broadcast %shift_left3A : i32 to vector<16xi32>
            %shift_left3A_137 = arith.shli %shift_right_arithmetic3A_135, %shift_left3A_136 : vector<16xi32>
            %add3A_138 = vector.broadcast %squeeze3A_66 : i32 to vector<16xi32>
            %add3A_139 = arith.addi %add3A_138, %shift_left3A_137 : vector<16xi32>
            %and3A_140 = arith.constant 7 : i32
            %and3A_141 = vector.broadcast %and3A_140 : i32 to vector<16xi32>
            %and3A_142 = arith.andi %add3A_127, %and3A_141 : vector<16xi32>
            %add3A_143 = arith.addi %add3A_139, %and3A_142 : vector<16xi32>
            %jit3A_144 = arith.constant 0 : i32
            %jit3A_145 = arith.constant 16383 : i32
            %max3A_146 = vector.broadcast %jit3A_144 : i32 to vector<16xi32>
            %max3A_147 = arith.maxsi %max3A_146, %add3A_143 : vector<16xi32>
            %min3A = vector.broadcast %jit3A_145 : i32 to vector<16xi32>
            %min3A_148 = arith.minsi %min3A, %max3A_147 : vector<16xi32>
            %shift_right_arithmetic3A_149 = arith.constant 3 : i32
            %shift_right_arithmetic3A_150 = vector.broadcast %shift_right_arithmetic3A_149 : i32 to vector<16xi32>
            %shift_right_arithmetic3A_151 = arith.shrsi %min3A_148, %shift_right_arithmetic3A_150 : vector<16xi32>
            %shift_left3A_152 = arith.constant 5 : i32
            %shift_left3A_153 = vector.broadcast %shift_left3A_152 : i32 to vector<16xi32>
            %shift_left3A_154 = arith.shli %shift_right_arithmetic3A_151, %shift_left3A_153 : vector<16xi32>
            %shift_left3A_155 = arith.constant 3 : i32
            %shift_left3A_156 = vector.broadcast %shift_left3A_155 : i32 to vector<16xi32>
            %shift_left3A_157 = arith.shli %and3A_132, %shift_left3A_156 : vector<16xi32>
            %add3A_158 = arith.addi %shift_left3A_154, %shift_left3A_157 : vector<16xi32>
            %and3A_159 = arith.constant 7 : i32
            %and3A_160 = vector.broadcast %and3A_159 : i32 to vector<16xi32>
            %and3A_161 = arith.andi %min3A_148, %and3A_160 : vector<16xi32>
            %add3A_162 = arith.addi %add3A_158, %and3A_161 : vector<16xi32>
            %swap3A = arith.constant 0 : index
            %swap3A_163 = tpu.vector_load %arg10[%swap3A] {strides = array<i32>} : memref<128xi32, #tpu.memory_space<vmem>>, vector<16xi32>,
            %swap3A_164 = vector.shape_cast %swap3A_163 : vector<16xi32> to vector<16xi32>
            %swap3A_165 = vector.shape_cast %add3A_162 : vector<16xi32> to vector<16xi32>
            tpu.vector_store %arg10[%swap3A], %swap3A_165 {strides = array<i32>} : memref<128xi32, #tpu.memory_space<vmem>>, vector<16xi32>,
            %iota3A_166 = tpu.iota {dimensions = array<i32: 0>} : vector<16xi32>
            %add3A_167 = arith.constant 16 : i32
            %add3A_168 = vector.broadcast %add3A_167 : i32 to vector<16xi32>
            %add3A_169 = arith.addi %iota3A_166, %add3A_168 : vector<16xi32>
            %shift_right_arithmetic3A_170 = arith.constant 3 : i32
            %shift_right_arithmetic3A_171 = vector.broadcast %shift_right_arithmetic3A_170 : i32 to vector<16xi32>
            %shift_right_arithmetic3A_172 = arith.shrsi %add3A_169, %shift_right_arithmetic3A_171 : vector<16xi32>
            %and3A_173 = arith.constant 3 : i32
            %and3A_174 = vector.broadcast %and3A_173 : i32 to vector<16xi32>
            %and3A_175 = arith.andi %shift_right_arithmetic3A_172, %and3A_174 : vector<16xi32>
            %shift_right_arithmetic3A_176 = arith.constant 5 : i32
            %shift_right_arithmetic3A_177 = vector.broadcast %shift_right_arithmetic3A_176 : i32 to vector<16xi32>
            %shift_right_arithmetic3A_178 = arith.shrsi %add3A_169, %shift_right_arithmetic3A_177 : vector<16xi32>
            %shift_left3A_179 = arith.constant 3 : i32
            %shift_left3A_180 = vector.broadcast %shift_left3A_179 : i32 to vector<16xi32>
            %shift_left3A_181 = arith.shli %shift_right_arithmetic3A_178, %shift_left3A_180 : vector<16xi32>
            %add3A_182 = vector.broadcast %squeeze3A_66 : i32 to vector<16xi32>
            %add3A_183 = arith.addi %add3A_182, %shift_left3A_181 : vector<16xi32>
            %and3A_184 = arith.constant 7 : i32
            %and3A_185 = vector.broadcast %and3A_184 : i32 to vector<16xi32>
            %and3A_186 = arith.andi %add3A_169, %and3A_185 : vector<16xi32>
            %add3A_187 = arith.addi %add3A_183, %and3A_186 : vector<16xi32>
            %jit3A_188 = arith.constant 0 : i32
            %jit3A_189 = arith.constant 16383 : i32
            %max3A_190 = vector.broadcast %jit3A_188 : i32 to vector<16xi32>
            %max3A_191 = arith.maxsi %max3A_190, %add3A_187 : vector<16xi32>
            %min3A_192 = vector.broadcast %jit3A_189 : i32 to vector<16xi32>
            %min3A_193 = arith.minsi %min3A_192, %max3A_191 : vector<16xi32>
            %shift_right_arithmetic3A_194 = arith.constant 3 : i32
            %shift_right_arithmetic3A_195 = vector.broadcast %shift_right_arithmetic3A_194 : i32 to vector<16xi32>
            %shift_right_arithmetic3A_196 = arith.shrsi %min3A_193, %shift_right_arithmetic3A_195 : vector<16xi32>
            %shift_left3A_197 = arith.constant 5 : i32
            %shift_left3A_198 = vector.broadcast %shift_left3A_197 : i32 to vector<16xi32>
            %shift_left3A_199 = arith.shli %shift_right_arithmetic3A_196, %shift_left3A_198 : vector<16xi32>
            %shift_left3A_200 = arith.constant 3 : i32
            %shift_left3A_201 = vector.broadcast %shift_left3A_200 : i32 to vector<16xi32>
            %shift_left3A_202 = arith.shli %and3A_175, %shift_left3A_201 : vector<16xi32>
            %add3A_203 = arith.addi %shift_left3A_199, %shift_left3A_202 : vector<16xi32>
            %and3A_204 = arith.constant 7 : i32
            %and3A_205 = vector.broadcast %and3A_204 : i32 to vector<16xi32>
            %and3A_206 = arith.andi %min3A_193, %and3A_205 : vector<16xi32>
            %add3A_207 = arith.addi %add3A_203, %and3A_206 : vector<16xi32>
            %swap3A_208 = arith.constant 16 : index
            %swap3A_209 = tpu.vector_load %arg10[%swap3A_208] {strides = array<i32>} : memref<128xi32, #tpu.memory_space<vmem>>, vector<16xi32>,
            %swap3A_210 = vector.shape_cast %swap3A_209 : vector<16xi32> to vector<16xi32>
            %swap3A_211 = vector.shape_cast %add3A_207 : vector<16xi32> to vector<16xi32>
            tpu.vector_store %arg10[%swap3A_208], %swap3A_211 {strides = array<i32>} : memref<128xi32, #tpu.memory_space<vmem>>, vector<16xi32>,
            %iota3A_212 = tpu.iota {dimensions = array<i32: 0>} : vector<16xi32>
            %add3A_213 = arith.constant 32 : i32
            %add3A_214 = vector.broadcast %add3A_213 : i32 to vector<16xi32>
            %add3A_215 = arith.addi %iota3A_212, %add3A_214 : vector<16xi32>
            %shift_right_arithmetic3A_216 = arith.constant 3 : i32
            %shift_right_arithmetic3A_217 = vector.broadcast %shift_right_arithmetic3A_216 : i32 to vector<16xi32>
            %shift_right_arithmetic3A_218 = arith.shrsi %add3A_215, %shift_right_arithmetic3A_217 : vector<16xi32>
            %and3A_219 = arith.constant 3 : i32
            %and3A_220 = vector.broadcast %and3A_219 : i32 to vector<16xi32>
            %and3A_221 = arith.andi %shift_right_arithmetic3A_218, %and3A_220 : vector<16xi32>
            %shift_right_arithmetic3A_222 = arith.constant 5 : i32
            %shift_right_arithmetic3A_223 = vector.broadcast %shift_right_arithmetic3A_222 : i32 to vector<16xi32>
            %shift_right_arithmetic3A_224 = arith.shrsi %add3A_215, %shift_right_arithmetic3A_223 : vector<16xi32>
            %shift_left3A_225 = arith.constant 3 : i32
            %shift_left3A_226 = vector.broadcast %shift_left3A_225 : i32 to vector<16xi32>
            %shift_left3A_227 = arith.shli %shift_right_arithmetic3A_224, %shift_left3A_226 : vector<16xi32>
            %add3A_228 = vector.broadcast %squeeze3A_66 : i32 to vector<16xi32>
            %add3A_229 = arith.addi %add3A_228, %shift_left3A_227 : vector<16xi32>
            %and3A_230 = arith.constant 7 : i32
            %and3A_231 = vector.broadcast %and3A_230 : i32 to vector<16xi32>
            %and3A_232 = arith.andi %add3A_215, %and3A_231 : vector<16xi32>
            %add3A_233 = arith.addi %add3A_229, %and3A_232 : vector<16xi32>
            %jit3A_234 = arith.constant 0 : i32
            %jit3A_235 = arith.constant 16383 : i32
            %max3A_236 = vector.broadcast %jit3A_234 : i32 to vector<16xi32>
            %max3A_237 = arith.maxsi %max3A_236, %add3A_233 : vector<16xi32>
            %min3A_238 = vector.broadcast %jit3A_235 : i32 to vector<16xi32>
            %min3A_239 = arith.minsi %min3A_238, %max3A_237 : vector<16xi32>
            %shift_right_arithmetic3A_240 = arith.constant 3 : i32
            %shift_right_arithmetic3A_241 = vector.broadcast %shift_right_arithmetic3A_240 : i32 to vector<16xi32>
            %shift_right_arithmetic3A_242 = arith.shrsi %min3A_239, %shift_right_arithmetic3A_241 : vector<16xi32>
            %shift_left3A_243 = arith.constant 5 : i32
            %shift_left3A_244 = vector.broadcast %shift_left3A_243 : i32 to vector<16xi32>
            %shift_left3A_245 = arith.shli %shift_right_arithmetic3A_242, %shift_left3A_244 : vector<16xi32>
            %shift_left3A_246 = arith.constant 3 : i32
            %shift_left3A_247 = vector.broadcast %shift_left3A_246 : i32 to vector<16xi32>
            %shift_left3A_248 = arith.shli %and3A_221, %shift_left3A_247 : vector<16xi32>
            %add3A_249 = arith.addi %shift_left3A_245, %shift_left3A_248 : vector<16xi32>
            %and3A_250 = arith.constant 7 : i32
            %and3A_251 = vector.broadcast %and3A_250 : i32 to vector<16xi32>
            %and3A_252 = arith.andi %min3A_239, %and3A_251 : vector<16xi32>
            %add3A_253 = arith.addi %add3A_249, %and3A_252 : vector<16xi32>
            %swap3A_254 = arith.constant 32 : index
            %swap3A_255 = tpu.vector_load %arg10[%swap3A_254] {strides = array<i32>} : memref<128xi32, #tpu.memory_space<vmem>>, vector<16xi32>,
            %swap3A_256 = vector.shape_cast %swap3A_255 : vector<16xi32> to vector<16xi32>
            %swap3A_257 = vector.shape_cast %add3A_253 : vector<16xi32> to vector<16xi32>
            tpu.vector_store %arg10[%swap3A_254], %swap3A_257 {strides = array<i32>} : memref<128xi32, #tpu.memory_space<vmem>>, vector<16xi32>,
            %iota3A_258 = tpu.iota {dimensions = array<i32: 0>} : vector<16xi32>
            %add3A_259 = arith.constant 48 : i32
            %add3A_260 = vector.broadcast %add3A_259 : i32 to vector<16xi32>
            %add3A_261 = arith.addi %iota3A_258, %add3A_260 : vector<16xi32>
            %shift_right_arithmetic3A_262 = arith.constant 3 : i32
            %shift_right_arithmetic3A_263 = vector.broadcast %shift_right_arithmetic3A_262 : i32 to vector<16xi32>
            %shift_right_arithmetic3A_264 = arith.shrsi %add3A_261, %shift_right_arithmetic3A_263 : vector<16xi32>
            %and3A_265 = arith.constant 3 : i32
            %and3A_266 = vector.broadcast %and3A_265 : i32 to vector<16xi32>
            %and3A_267 = arith.andi %shift_right_arithmetic3A_264, %and3A_266 : vector<16xi32>
            %shift_right_arithmetic3A_268 = arith.constant 5 : i32
            %shift_right_arithmetic3A_269 = vector.broadcast %shift_right_arithmetic3A_268 : i32 to vector<16xi32>
            %shift_right_arithmetic3A_270 = arith.shrsi %add3A_261, %shift_right_arithmetic3A_269 : vector<16xi32>
            %shift_left3A_271 = arith.constant 3 : i32
            %shift_left3A_272 = vector.broadcast %shift_left3A_271 : i32 to vector<16xi32>
            %shift_left3A_273 = arith.shli %shift_right_arithmetic3A_270, %shift_left3A_272 : vector<16xi32>
            %add3A_274 = vector.broadcast %squeeze3A_66 : i32 to vector<16xi32>
            %add3A_275 = arith.addi %add3A_274, %shift_left3A_273 : vector<16xi32>
            %and3A_276 = arith.constant 7 : i32
            %and3A_277 = vector.broadcast %and3A_276 : i32 to vector<16xi32>
            %and3A_278 = arith.andi %add3A_261, %and3A_277 : vector<16xi32>
            %add3A_279 = arith.addi %add3A_275, %and3A_278 : vector<16xi32>
            %jit3A_280 = arith.constant 0 : i32
            %jit3A_281 = arith.constant 16383 : i32
            %max3A_282 = vector.broadcast %jit3A_280 : i32 to vector<16xi32>
            %max3A_283 = arith.maxsi %max3A_282, %add3A_279 : vector<16xi32>
            %min3A_284 = vector.broadcast %jit3A_281 : i32 to vector<16xi32>
            %min3A_285 = arith.minsi %min3A_284, %max3A_283 : vector<16xi32>
            %shift_right_arithmetic3A_286 = arith.constant 3 : i32
            %shift_right_arithmetic3A_287 = vector.broadcast %shift_right_arithmetic3A_286 : i32 to vector<16xi32>
            %shift_right_arithmetic3A_288 = arith.shrsi %min3A_285, %shift_right_arithmetic3A_287 : vector<16xi32>
            %shift_left3A_289 = arith.constant 5 : i32
            %shift_left3A_290 = vector.broadcast %shift_left3A_289 : i32 to vector<16xi32>
            %shift_left3A_291 = arith.shli %shift_right_arithmetic3A_288, %shift_left3A_290 : vector<16xi32>
            %shift_left3A_292 = arith.constant 3 : i32
            %shift_left3A_293 = vector.broadcast %shift_left3A_292 : i32 to vector<16xi32>
            %shift_left3A_294 = arith.shli %and3A_267, %shift_left3A_293 : vector<16xi32>
            %add3A_295 = arith.addi %shift_left3A_291, %shift_left3A_294 : vector<16xi32>
            %and3A_296 = arith.constant 7 : i32
            %and3A_297 = vector.broadcast %and3A_296 : i32 to vector<16xi32>
            %and3A_298 = arith.andi %min3A_285, %and3A_297 : vector<16xi32>
            %add3A_299 = arith.addi %add3A_295, %and3A_298 : vector<16xi32>
            %swap3A_300 = arith.constant 48 : index
            %swap3A_301 = tpu.vector_load %arg10[%swap3A_300] {strides = array<i32>} : memref<128xi32, #tpu.memory_space<vmem>>, vector<16xi32>,
            %swap3A_302 = vector.shape_cast %swap3A_301 : vector<16xi32> to vector<16xi32>
            %swap3A_303 = vector.shape_cast %add3A_299 : vector<16xi32> to vector<16xi32>
            tpu.vector_store %arg10[%swap3A_300], %swap3A_303 {strides = array<i32>} : memref<128xi32, #tpu.memory_space<vmem>>, vector<16xi32>,
            %iota3A_304 = tpu.iota {dimensions = array<i32: 0>} : vector<16xi32>
            %add3A_305 = arith.constant 64 : i32
            %add3A_306 = vector.broadcast %add3A_305 : i32 to vector<16xi32>
            %add3A_307 = arith.addi %iota3A_304, %add3A_306 : vector<16xi32>
            %shift_right_arithmetic3A_308 = arith.constant 3 : i32
            %shift_right_arithmetic3A_309 = vector.broadcast %shift_right_arithmetic3A_308 : i32 to vector<16xi32>
            %shift_right_arithmetic3A_310 = arith.shrsi %add3A_307, %shift_right_arithmetic3A_309 : vector<16xi32>
            %and3A_311 = arith.constant 3 : i32
            %and3A_312 = vector.broadcast %and3A_311 : i32 to vector<16xi32>
            %and3A_313 = arith.andi %shift_right_arithmetic3A_310, %and3A_312 : vector<16xi32>
            %shift_right_arithmetic3A_314 = arith.constant 5 : i32
            %shift_right_arithmetic3A_315 = vector.broadcast %shift_right_arithmetic3A_314 : i32 to vector<16xi32>
            %shift_right_arithmetic3A_316 = arith.shrsi %add3A_307, %shift_right_arithmetic3A_315 : vector<16xi32>
            %shift_left3A_317 = arith.constant 3 : i32
            %shift_left3A_318 = vector.broadcast %shift_left3A_317 : i32 to vector<16xi32>
            %shift_left3A_319 = arith.shli %shift_right_arithmetic3A_316, %shift_left3A_318 : vector<16xi32>
            %add3A_320 = vector.broadcast %squeeze3A_66 : i32 to vector<16xi32>
            %add3A_321 = arith.addi %add3A_320, %shift_left3A_319 : vector<16xi32>
            %and3A_322 = arith.constant 7 : i32
            %and3A_323 = vector.broadcast %and3A_322 : i32 to vector<16xi32>
            %and3A_324 = arith.andi %add3A_307, %and3A_323 : vector<16xi32>
            %add3A_325 = arith.addi %add3A_321, %and3A_324 : vector<16xi32>
            %jit3A_326 = arith.constant 0 : i32
            %jit3A_327 = arith.constant 16383 : i32
            %max3A_328 = vector.broadcast %jit3A_326 : i32 to vector<16xi32>
            %max3A_329 = arith.maxsi %max3A_328, %add3A_325 : vector<16xi32>
            %min3A_330 = vector.broadcast %jit3A_327 : i32 to vector<16xi32>
            %min3A_331 = arith.minsi %min3A_330, %max3A_329 : vector<16xi32>
            %shift_right_arithmetic3A_332 = arith.constant 3 : i32
            %shift_right_arithmetic3A_333 = vector.broadcast %shift_right_arithmetic3A_332 : i32 to vector<16xi32>
            %shift_right_arithmetic3A_334 = arith.shrsi %min3A_331, %shift_right_arithmetic3A_333 : vector<16xi32>
            %shift_left3A_335 = arith.constant 5 : i32
            %shift_left3A_336 = vector.broadcast %shift_left3A_335 : i32 to vector<16xi32>
            %shift_left3A_337 = arith.shli %shift_right_arithmetic3A_334, %shift_left3A_336 : vector<16xi32>
            %shift_left3A_338 = arith.constant 3 : i32
            %shift_left3A_339 = vector.broadcast %shift_left3A_338 : i32 to vector<16xi32>
            %shift_left3A_340 = arith.shli %and3A_313, %shift_left3A_339 : vector<16xi32>
            %add3A_341 = arith.addi %shift_left3A_337, %shift_left3A_340 : vector<16xi32>
            %and3A_342 = arith.constant 7 : i32
            %and3A_343 = vector.broadcast %and3A_342 : i32 to vector<16xi32>
            %and3A_344 = arith.andi %min3A_331, %and3A_343 : vector<16xi32>
            %add3A_345 = arith.addi %add3A_341, %and3A_344 : vector<16xi32>
            %swap3A_346 = arith.constant 64 : index
            %swap3A_347 = tpu.vector_load %arg10[%swap3A_346] {strides = array<i32>} : memref<128xi32, #tpu.memory_space<vmem>>, vector<16xi32>,
            %swap3A_348 = vector.shape_cast %swap3A_347 : vector<16xi32> to vector<16xi32>
            %swap3A_349 = vector.shape_cast %add3A_345 : vector<16xi32> to vector<16xi32>
            tpu.vector_store %arg10[%swap3A_346], %swap3A_349 {strides = array<i32>} : memref<128xi32, #tpu.memory_space<vmem>>, vector<16xi32>,
            %iota3A_350 = tpu.iota {dimensions = array<i32: 0>} : vector<16xi32>
            %add3A_351 = arith.constant 80 : i32
            %add3A_352 = vector.broadcast %add3A_351 : i32 to vector<16xi32>
            %add3A_353 = arith.addi %iota3A_350, %add3A_352 : vector<16xi32>
            %shift_right_arithmetic3A_354 = arith.constant 3 : i32
            %shift_right_arithmetic3A_355 = vector.broadcast %shift_right_arithmetic3A_354 : i32 to vector<16xi32>
            %shift_right_arithmetic3A_356 = arith.shrsi %add3A_353, %shift_right_arithmetic3A_355 : vector<16xi32>
            %and3A_357 = arith.constant 3 : i32
            %and3A_358 = vector.broadcast %and3A_357 : i32 to vector<16xi32>
            %and3A_359 = arith.andi %shift_right_arithmetic3A_356, %and3A_358 : vector<16xi32>
            %shift_right_arithmetic3A_360 = arith.constant 5 : i32
            %shift_right_arithmetic3A_361 = vector.broadcast %shift_right_arithmetic3A_360 : i32 to vector<16xi32>
            %shift_right_arithmetic3A_362 = arith.shrsi %add3A_353, %shift_right_arithmetic3A_361 : vector<16xi32>
            %shift_left3A_363 = arith.constant 3 : i32
            %shift_left3A_364 = vector.broadcast %shift_left3A_363 : i32 to vector<16xi32>
            %shift_left3A_365 = arith.shli %shift_right_arithmetic3A_362, %shift_left3A_364 : vector<16xi32>
            %add3A_366 = vector.broadcast %squeeze3A_66 : i32 to vector<16xi32>
            %add3A_367 = arith.addi %add3A_366, %shift_left3A_365 : vector<16xi32>
            %and3A_368 = arith.constant 7 : i32
            %and3A_369 = vector.broadcast %and3A_368 : i32 to vector<16xi32>
            %and3A_370 = arith.andi %add3A_353, %and3A_369 : vector<16xi32>
            %add3A_371 = arith.addi %add3A_367, %and3A_370 : vector<16xi32>
            %jit3A_372 = arith.constant 0 : i32
            %jit3A_373 = arith.constant 16383 : i32
            %max3A_374 = vector.broadcast %jit3A_372 : i32 to vector<16xi32>
            %max3A_375 = arith.maxsi %max3A_374, %add3A_371 : vector<16xi32>
            %min3A_376 = vector.broadcast %jit3A_373 : i32 to vector<16xi32>
            %min3A_377 = arith.minsi %min3A_376, %max3A_375 : vector<16xi32>
            %shift_right_arithmetic3A_378 = arith.constant 3 : i32
            %shift_right_arithmetic3A_379 = vector.broadcast %shift_right_arithmetic3A_378 : i32 to vector<16xi32>
            %shift_right_arithmetic3A_380 = arith.shrsi %min3A_377, %shift_right_arithmetic3A_379 : vector<16xi32>
            %shift_left3A_381 = arith.constant 5 : i32
            %shift_left3A_382 = vector.broadcast %shift_left3A_381 : i32 to vector<16xi32>
            %shift_left3A_383 = arith.shli %shift_right_arithmetic3A_380, %shift_left3A_382 : vector<16xi32>
            %shift_left3A_384 = arith.constant 3 : i32
            %shift_left3A_385 = vector.broadcast %shift_left3A_384 : i32 to vector<16xi32>
            %shift_left3A_386 = arith.shli %and3A_359, %shift_left3A_385 : vector<16xi32>
            %add3A_387 = arith.addi %shift_left3A_383, %shift_left3A_386 : vector<16xi32>
            %and3A_388 = arith.constant 7 : i32
            %and3A_389 = vector.broadcast %and3A_388 : i32 to vector<16xi32>
            %and3A_390 = arith.andi %min3A_377, %and3A_389 : vector<16xi32>
            %add3A_391 = arith.addi %add3A_387, %and3A_390 : vector<16xi32>
            %swap3A_392 = arith.constant 80 : index
            %swap3A_393 = tpu.vector_load %arg10[%swap3A_392] {strides = array<i32>} : memref<128xi32, #tpu.memory_space<vmem>>, vector<16xi32>,
            %swap3A_394 = vector.shape_cast %swap3A_393 : vector<16xi32> to vector<16xi32>
            %swap3A_395 = vector.shape_cast %add3A_391 : vector<16xi32> to vector<16xi32>
            tpu.vector_store %arg10[%swap3A_392], %swap3A_395 {strides = array<i32>} : memref<128xi32, #tpu.memory_space<vmem>>, vector<16xi32>,
            %iota3A_396 = tpu.iota {dimensions = array<i32: 0>} : vector<16xi32>
            %add3A_397 = arith.constant 96 : i32
            %add3A_398 = vector.broadcast %add3A_397 : i32 to vector<16xi32>
            %add3A_399 = arith.addi %iota3A_396, %add3A_398 : vector<16xi32>
            %shift_right_arithmetic3A_400 = arith.constant 3 : i32
            %shift_right_arithmetic3A_401 = vector.broadcast %shift_right_arithmetic3A_400 : i32 to vector<16xi32>
            %shift_right_arithmetic3A_402 = arith.shrsi %add3A_399, %shift_right_arithmetic3A_401 : vector<16xi32>
            %and3A_403 = arith.constant 3 : i32
            %and3A_404 = vector.broadcast %and3A_403 : i32 to vector<16xi32>
            %and3A_405 = arith.andi %shift_right_arithmetic3A_402, %and3A_404 : vector<16xi32>
            %shift_right_arithmetic3A_406 = arith.constant 5 : i32
            %shift_right_arithmetic3A_407 = vector.broadcast %shift_right_arithmetic3A_406 : i32 to vector<16xi32>
            %shift_right_arithmetic3A_408 = arith.shrsi %add3A_399, %shift_right_arithmetic3A_407 : vector<16xi32>
            %shift_left3A_409 = arith.constant 3 : i32
            %shift_left3A_410 = vector.broadcast %shift_left3A_409 : i32 to vector<16xi32>
            %shift_left3A_411 = arith.shli %shift_right_arithmetic3A_408, %shift_left3A_410 : vector<16xi32>
            %add3A_412 = vector.broadcast %squeeze3A_66 : i32 to vector<16xi32>
            %add3A_413 = arith.addi %add3A_412, %shift_left3A_411 : vector<16xi32>
            %and3A_414 = arith.constant 7 : i32
            %and3A_415 = vector.broadcast %and3A_414 : i32 to vector<16xi32>
            %and3A_416 = arith.andi %add3A_399, %and3A_415 : vector<16xi32>
            %add3A_417 = arith.addi %add3A_413, %and3A_416 : vector<16xi32>
            %jit3A_418 = arith.constant 0 : i32
            %jit3A_419 = arith.constant 16383 : i32
            %max3A_420 = vector.broadcast %jit3A_418 : i32 to vector<16xi32>
            %max3A_421 = arith.maxsi %max3A_420, %add3A_417 : vector<16xi32>
            %min3A_422 = vector.broadcast %jit3A_419 : i32 to vector<16xi32>
            %min3A_423 = arith.minsi %min3A_422, %max3A_421 : vector<16xi32>
            %shift_right_arithmetic3A_424 = arith.constant 3 : i32
            %shift_right_arithmetic3A_425 = vector.broadcast %shift_right_arithmetic3A_424 : i32 to vector<16xi32>
            %shift_right_arithmetic3A_426 = arith.shrsi %min3A_423, %shift_right_arithmetic3A_425 : vector<16xi32>
            %shift_left3A_427 = arith.constant 5 : i32
            %shift_left3A_428 = vector.broadcast %shift_left3A_427 : i32 to vector<16xi32>
            %shift_left3A_429 = arith.shli %shift_right_arithmetic3A_426, %shift_left3A_428 : vector<16xi32>
            %shift_left3A_430 = arith.constant 3 : i32
            %shift_left3A_431 = vector.broadcast %shift_left3A_430 : i32 to vector<16xi32>
            %shift_left3A_432 = arith.shli %and3A_405, %shift_left3A_431 : vector<16xi32>
            %add3A_433 = arith.addi %shift_left3A_429, %shift_left3A_432 : vector<16xi32>
            %and3A_434 = arith.constant 7 : i32
            %and3A_435 = vector.broadcast %and3A_434 : i32 to vector<16xi32>
            %and3A_436 = arith.andi %min3A_423, %and3A_435 : vector<16xi32>
            %add3A_437 = arith.addi %add3A_433, %and3A_436 : vector<16xi32>
            %swap3A_438 = arith.constant 96 : index
            %swap3A_439 = tpu.vector_load %arg10[%swap3A_438] {strides = array<i32>} : memref<128xi32, #tpu.memory_space<vmem>>, vector<16xi32>,
            %swap3A_440 = vector.shape_cast %swap3A_439 : vector<16xi32> to vector<16xi32>
            %swap3A_441 = vector.shape_cast %add3A_437 : vector<16xi32> to vector<16xi32>
            tpu.vector_store %arg10[%swap3A_438], %swap3A_441 {strides = array<i32>} : memref<128xi32, #tpu.memory_space<vmem>>, vector<16xi32>,
            %iota3A_442 = tpu.iota {dimensions = array<i32: 0>} : vector<16xi32>
            %add3A_443 = arith.constant 112 : i32
            %add3A_444 = vector.broadcast %add3A_443 : i32 to vector<16xi32>
            %add3A_445 = arith.addi %iota3A_442, %add3A_444 : vector<16xi32>
            %shift_right_arithmetic3A_446 = arith.constant 3 : i32
            %shift_right_arithmetic3A_447 = vector.broadcast %shift_right_arithmetic3A_446 : i32 to vector<16xi32>
            %shift_right_arithmetic3A_448 = arith.shrsi %add3A_445, %shift_right_arithmetic3A_447 : vector<16xi32>
            %and3A_449 = arith.constant 3 : i32
            %and3A_450 = vector.broadcast %and3A_449 : i32 to vector<16xi32>
            %and3A_451 = arith.andi %shift_right_arithmetic3A_448, %and3A_450 : vector<16xi32>
            %shift_right_arithmetic3A_452 = arith.constant 5 : i32
            %shift_right_arithmetic3A_453 = vector.broadcast %shift_right_arithmetic3A_452 : i32 to vector<16xi32>
            %shift_right_arithmetic3A_454 = arith.shrsi %add3A_445, %shift_right_arithmetic3A_453 : vector<16xi32>
            %shift_left3A_455 = arith.constant 3 : i32
            %shift_left3A_456 = vector.broadcast %shift_left3A_455 : i32 to vector<16xi32>
            %shift_left3A_457 = arith.shli %shift_right_arithmetic3A_454, %shift_left3A_456 : vector<16xi32>
            %add3A_458 = vector.broadcast %squeeze3A_66 : i32 to vector<16xi32>
            %add3A_459 = arith.addi %add3A_458, %shift_left3A_457 : vector<16xi32>
            %and3A_460 = arith.constant 7 : i32
            %and3A_461 = vector.broadcast %and3A_460 : i32 to vector<16xi32>
            %and3A_462 = arith.andi %add3A_445, %and3A_461 : vector<16xi32>
            %add3A_463 = arith.addi %add3A_459, %and3A_462 : vector<16xi32>
            %jit3A_464 = arith.constant 0 : i32
            %jit3A_465 = arith.constant 16383 : i32
            %max3A_466 = vector.broadcast %jit3A_464 : i32 to vector<16xi32>
            %max3A_467 = arith.maxsi %max3A_466, %add3A_463 : vector<16xi32>
            %min3A_468 = vector.broadcast %jit3A_465 : i32 to vector<16xi32>
            %min3A_469 = arith.minsi %min3A_468, %max3A_467 : vector<16xi32>
            %shift_right_arithmetic3A_470 = arith.constant 3 : i32
            %shift_right_arithmetic3A_471 = vector.broadcast %shift_right_arithmetic3A_470 : i32 to vector<16xi32>
            %shift_right_arithmetic3A_472 = arith.shrsi %min3A_469, %shift_right_arithmetic3A_471 : vector<16xi32>
            %shift_left3A_473 = arith.constant 5 : i32
            %shift_left3A_474 = vector.broadcast %shift_left3A_473 : i32 to vector<16xi32>
            %shift_left3A_475 = arith.shli %shift_right_arithmetic3A_472, %shift_left3A_474 : vector<16xi32>
            %shift_left3A_476 = arith.constant 3 : i32
            %shift_left3A_477 = vector.broadcast %shift_left3A_476 : i32 to vector<16xi32>
            %shift_left3A_478 = arith.shli %and3A_451, %shift_left3A_477 : vector<16xi32>
            %add3A_479 = arith.addi %shift_left3A_475, %shift_left3A_478 : vector<16xi32>
            %and3A_480 = arith.constant 7 : i32
            %and3A_481 = vector.broadcast %and3A_480 : i32 to vector<16xi32>
            %and3A_482 = arith.andi %min3A_469, %and3A_481 : vector<16xi32>
            %add3A_483 = arith.addi %add3A_479, %and3A_482 : vector<16xi32>
            %swap3A_484 = arith.constant 112 : index
            %swap3A_485 = tpu.vector_load %arg10[%swap3A_484] {strides = array<i32>} : memref<128xi32, #tpu.memory_space<vmem>>, vector<16xi32>,
            %swap3A_486 = vector.shape_cast %swap3A_485 : vector<16xi32> to vector<16xi32>
            %swap3A_487 = vector.shape_cast %add3A_483 : vector<16xi32> to vector<16xi32>
            tpu.vector_store %arg10[%swap3A_484], %swap3A_487 {strides = array<i32>} : memref<128xi32, #tpu.memory_space<vmem>>, vector<16xi32>,
            %dma_start3A = arith.constant 0 : i32
            %dma_start3A_488 = arith.constant 0 : i32
            %dma_start3A_489 = tpu.memref_slice %arg2[%dma_start3A, %dma_start3A_488] : memref<65536x128xf32, #tpu.memory_space<hbm>> -> memref<65536x128xf32, #tpu.memory_space<hbm>>
            tpu.enqueue_indirect_dma source(%dma_start3A_489 : memref<65536x128xf32, #tpu.memory_space<hbm>>) target(%arg6 : memref<128x128xf32, #tpu.memory_space<vmem>>) offsets(%arg10 : memref<128xi32, #tpu.memory_space<vmem>>) semaphore(%arg12 : memref<!tpu.dma_semaphore, #tpu.memory_space<semaphore_mem>>)
          } else {
          }
        } else {
        }
      } else {
      }
      %sub3A = arith.constant 1 : i32
      %sub3A_36 = arith.subi %scan3A_29, %sub3A : i32
      %max3A = arith.constant 0 : i32
      %max3A_37 = arith.maxsi %sub3A_36, %max3A : i32
      %get3A = arith.index_cast %max3A_37 : i32 to index
      %get3A_38 = arith.constant 0 : index
      %get3A_39 = tpu.vector_load %arg8[%get3A, %get3A_38] {strides = array<i32>} : memref<32x16xi32, #tpu.memory_space<vmem>>, vector<1x16xi32>,
      %get3A_40 = vector.shape_cast %get3A_39 : vector<1x16xi32> to vector<16xi32>
      %ge3A_41 = arith.constant 1 : i32
      %ge3A_42 = arith.cmpi sge, %scan3A_29, %ge3A_41 : i32
      %slice3A = vector.extract_strided_slice %get3A_40 {offsets = [1], sizes = [1], strides = [1]} : vector<16xi32> to vector<1xi32>
      %squeeze3A = vector.extract %slice3A[0] : i32 from vector<1xi32>
      %gt3A = arith.constant 0 : i32
      %gt3A_43 = arith.cmpi sgt, %squeeze3A, %gt3A : i32
      %and3A = arith.andi %ge3A_42, %gt3A_43 : i1
      %convert_element_type3A_44 = arith.extui %and3A : i1 to i32
      %cond3A_45 = arith.constant 0 : i32
      %cond3A_46 = arith.cmpi ne, %convert_element_type3A_44, %cond3A_45 : i32
      scf.if %cond3A_46 {
        %slice3A_61 = vector.extract_strided_slice %get3A_40 {offsets = [1], sizes = [1], strides = [1]} : vector<16xi32> to vector<1xi32>
        %squeeze3A_62 = vector.extract %slice3A_61[0] : i32 from vector<1xi32>
        %sub3A_63 = arith.constant 1 : i32
        %sub3A_64 = arith.subi %scan3A_29, %sub3A_63 : i32
        %jit3A = arith.constant 2 : i32
        %eq3A_65 = arith.constant 0 : i32
        %eq3A_66 = arith.cmpi eq, %jit3A, %eq3A_65 : i32
        %jit3A_67 = arith.constant 1 : i32
        %select_n3A_68 = arith.select %eq3A_66, %jit3A_67, %jit3A : i32
        %rem3A = arith.remsi %sub3A_64, %select_n3A_68 : i32
        %ne3A = arith.constant 0 : i32
        %ne3A_69 = arith.cmpi ne, %rem3A, %ne3A : i32
        %lt3A_70 = arith.constant 0 : i32
        %lt3A_71 = arith.cmpi slt, %rem3A, %lt3A_70 : i32
        %lt3A_72 = arith.constant 0 : i32
        %lt3A_73 = arith.cmpi slt, %select_n3A_68, %lt3A_72 : i32
        %ne3A_74 = arith.xori %lt3A_71, %lt3A_73 : i1
        %and3A_75 = arith.andi %ne3A_74, %ne3A_69 : i1
        %add3A_76 = arith.addi %rem3A, %select_n3A_68 : i32
        %select_n3A_77 = arith.select %and3A_75, %add3A_76, %rem3A : i32
        %eq3A_78 = arith.constant 0 : i32
        %eq3A_79 = arith.cmpi eq, %select_n3A_77, %eq3A_78 : i32
        %convert_element_type3A_80 = arith.extui %eq3A_79 : i1 to i32
        %cond3A_81 = arith.constant 0 : i32
        %cond3A_82 = arith.cmpi ne, %convert_element_type3A_80, %cond3A_81 : i32
        scf.if %cond3A_82 {
          %dma_wait3A = arith.constant 0 : i32
          %dma_wait3A_106 = arith.constant 0 : i32
          %dma_wait3A_107 = tpu.memref_slice %arg2[%dma_wait3A, %dma_wait3A_106] : memref<65536x128xf32, #tpu.memory_space<hbm>> -> memref<65536x128xf32, #tpu.memory_space<hbm>>
          tpu.wait_indirect_dma semaphore(%arg11 : memref<!tpu.dma_semaphore, #tpu.memory_space<semaphore_mem>>) src(%dma_wait3A_107 : memref<65536x128xf32, #tpu.memory_space<hbm>>) dst(%arg5 : memref<128x128xf32, #tpu.memory_space<vmem>>)
          %lt3A_108 = arith.constant 32 : i32
          %lt3A_109 = arith.cmpi slt, %squeeze3A_62, %lt3A_108 : i32
          %convert_element_type3A_110 = arith.extui %lt3A_109 : i1 to i32
          %cond3A_111 = arith.constant 0 : i32
          %cond3A_112 = arith.cmpi ne, %convert_element_type3A_110, %cond3A_111 : i32
          scf.if %cond3A_112 {
            %while3A = arith.constant 32 : i32
            %while3A_118 = arith.constant 0 : i32
            %while3A_119 = arith.subi %while3A, %squeeze3A_62 : i32
            %while3A_120 = arith.addi %squeeze3A_62, %while3A_119 : i32
            %while3A_121 = arith.constant 1 : i32
            %while3A_122 = arith.divsi %while3A_119, %while3A_121 : i32
            %while3A_123 = arith.muli %while3A_122, %while3A_121 : i32
            %while3A_124 = arith.addi %squeeze3A_62, %while3A_123 : i32
            %while3A_125 = arith.constant 1 : i32
            %while3A_126 = scf.for %while3A_129 = %squeeze3A_62 to %while3A_124 step %while3A_125 iter_args(%while3A_130 = %while3A_118) -> (i32)  : i32 {
              %shift_right_arithmetic3A = arith.constant 3 : i32
              %shift_right_arithmetic3A_131 = arith.shrsi %while3A_129, %shift_right_arithmetic3A : i32
              %shift_left3A = arith.constant 5 : i32
              %shift_left3A_132 = arith.shli %shift_right_arithmetic3A_131, %shift_left3A : i32
              %and3A_133 = arith.constant 7 : i32
              %and3A_134 = arith.andi %while3A_129, %and3A_133 : i32
              %add3A_135 = arith.addi %shift_left3A_132, %and3A_134 : i32
              %scan3A_136 = arith.constant 0 : i32
              %scan3A_137 = arith.constant 8 : i32
              %scan3A_138 = arith.addi %scan3A_136, %scan3A_137 : i32
              %scan3A_139 = arith.constant 1 : i32
              scf.for %scan3A_157 = %scan3A_136 to %scan3A_138 step %scan3A_139  : i32 {
                %mul3A_158 = arith.constant 16 : i32
                %mul3A_159 = arith.muli %scan3A_157, %mul3A_158 : i32
                %add3A_160 = arith.constant 0 : i32
                %add3A_161 = arith.addi %add3A_160, %mul3A_159 : i32
                %broadcast_in_dim3A = arith.constant 0.000000e+00 : f32
                %broadcast_in_dim3A_162 = vector.broadcast %broadcast_in_dim3A : f32 to vector<16xf32>
                %add3A_163 = arith.constant 0 : i32
                %add3A_164 = arith.addi %add3A_135, %add3A_163 : i32
                %swap3A = arith.index_cast %add3A_164 : i32 to index
                %swap3A_165 = arith.index_cast %add3A_161 : i32 to index
                %swap3A_166 = tpu.vector_load %arg5[%swap3A, %swap3A_165] {strides = array<i32>} : memref<128x128xf32, #tpu.memory_space<vmem>>, vector<1x16xf32>,
                %swap3A_167 = vector.shape_cast %swap3A_166 : vector<1x16xf32> to vector<16xf32>
                %swap3A_168 = vector.shape_cast %broadcast_in_dim3A_162 : vector<16xf32> to vector<1x16xf32>
                tpu.vector_store %arg5[%swap3A, %swap3A_165], %swap3A_168 {strides = array<i32>} : memref<128x128xf32, #tpu.memory_space<vmem>>, vector<1x16xf32>,
              }
              %scan3A_140 = arith.constant 8 : i32
              %scan3A_141 = arith.constant 0 : i32
              %scan3A_142 = arith.constant 8 : i32
              %scan3A_143 = arith.addi %scan3A_141, %scan3A_142 : i32
              %scan3A_144 = arith.constant 1 : i32
              scf.for %scan3A_157 = %scan3A_141 to %scan3A_143 step %scan3A_144  : i32 {
                %mul3A_158 = arith.constant 16 : i32
                %mul3A_159 = arith.muli %scan3A_157, %mul3A_158 : i32
                %add3A_160 = arith.constant 0 : i32
                %add3A_161 = arith.addi %add3A_160, %mul3A_159 : i32
                %broadcast_in_dim3A = arith.constant 0.000000e+00 : f32
                %broadcast_in_dim3A_162 = vector.broadcast %broadcast_in_dim3A : f32 to vector<16xf32>
                %add3A_163 = arith.constant 8 : i32
                %add3A_164 = arith.addi %add3A_135, %add3A_163 : i32
                %swap3A = arith.index_cast %add3A_164 : i32 to index
                %swap3A_165 = arith.index_cast %add3A_161 : i32 to index
                %swap3A_166 = tpu.vector_load %arg5[%swap3A, %swap3A_165] {strides = array<i32>} : memref<128x128xf32, #tpu.memory_space<vmem>>, vector<1x16xf32>,
                %swap3A_167 = vector.shape_cast %swap3A_166 : vector<1x16xf32> to vector<16xf32>
                %swap3A_168 = vector.shape_cast %broadcast_in_dim3A_162 : vector<16xf32> to vector<1x16xf32>
                tpu.vector_store %arg5[%swap3A, %swap3A_165], %swap3A_168 {strides = array<i32>} : memref<128x128xf32, #tpu.memory_space<vmem>>, vector<1x16xf32>,
              }
              %scan3A_145 = arith.constant 8 : i32
              %scan3A_146 = arith.constant 0 : i32
              %scan3A_147 = arith.constant 8 : i32
              %scan3A_148 = arith.addi %scan3A_146, %scan3A_147 : i32
              %scan3A_149 = arith.constant 1 : i32
              scf.for %scan3A_157 = %scan3A_146 to %scan3A_148 step %scan3A_149  : i32 {
                %mul3A_158 = arith.constant 16 : i32
                %mul3A_159 = arith.muli %scan3A_157, %mul3A_158 : i32
                %add3A_160 = arith.constant 0 : i32
                %add3A_161 = arith.addi %add3A_160, %mul3A_159 : i32
                %broadcast_in_dim3A = arith.constant 0.000000e+00 : f32
                %broadcast_in_dim3A_162 = vector.broadcast %broadcast_in_dim3A : f32 to vector<16xf32>
                %add3A_163 = arith.constant 16 : i32
                %add3A_164 = arith.addi %add3A_135, %add3A_163 : i32
                %swap3A = arith.index_cast %add3A_164 : i32 to index
                %swap3A_165 = arith.index_cast %add3A_161 : i32 to index
                %swap3A_166 = tpu.vector_load %arg5[%swap3A, %swap3A_165] {strides = array<i32>} : memref<128x128xf32, #tpu.memory_space<vmem>>, vector<1x16xf32>,
                %swap3A_167 = vector.shape_cast %swap3A_166 : vector<1x16xf32> to vector<16xf32>
                %swap3A_168 = vector.shape_cast %broadcast_in_dim3A_162 : vector<16xf32> to vector<1x16xf32>
                tpu.vector_store %arg5[%swap3A, %swap3A_165], %swap3A_168 {strides = array<i32>} : memref<128x128xf32, #tpu.memory_space<vmem>>, vector<1x16xf32>,
              }
              %scan3A_150 = arith.constant 8 : i32
              %scan3A_151 = arith.constant 0 : i32
              %scan3A_152 = arith.constant 8 : i32
              %scan3A_153 = arith.addi %scan3A_151, %scan3A_152 : i32
              %scan3A_154 = arith.constant 1 : i32
              scf.for %scan3A_157 = %scan3A_151 to %scan3A_153 step %scan3A_154  : i32 {
                %mul3A_158 = arith.constant 16 : i32
                %mul3A_159 = arith.muli %scan3A_157, %mul3A_158 : i32
                %add3A_160 = arith.constant 0 : i32
                %add3A_161 = arith.addi %add3A_160, %mul3A_159 : i32
                %broadcast_in_dim3A = arith.constant 0.000000e+00 : f32
                %broadcast_in_dim3A_162 = vector.broadcast %broadcast_in_dim3A : f32 to vector<16xf32>
                %add3A_163 = arith.constant 24 : i32
                %add3A_164 = arith.addi %add3A_135, %add3A_163 : i32
                %swap3A = arith.index_cast %add3A_164 : i32 to index
                %swap3A_165 = arith.index_cast %add3A_161 : i32 to index
                %swap3A_166 = tpu.vector_load %arg5[%swap3A, %swap3A_165] {strides = array<i32>} : memref<128x128xf32, #tpu.memory_space<vmem>>, vector<1x16xf32>,
                %swap3A_167 = vector.shape_cast %swap3A_166 : vector<1x16xf32> to vector<16xf32>
                %swap3A_168 = vector.shape_cast %broadcast_in_dim3A_162 : vector<16xf32> to vector<1x16xf32>
                tpu.vector_store %arg5[%swap3A, %swap3A_165], %swap3A_168 {strides = array<i32>} : memref<128x128xf32, #tpu.memory_space<vmem>>, vector<1x16xf32>,
              }
              %scan3A_155 = arith.constant 8 : i32
              %while3A_156 = arith.constant 0 : i32
              scf.yield %while3A_156 : i32
            }
            %while3A_127 = arith.constant 1 : i32
            %while3A_128 = scf.for %while3A_129 = %while3A_124 to %while3A_120 step %while3A_127 iter_args(%while3A_130 = %while3A_126) -> (i32)  : i32 {
              %shift_right_arithmetic3A = arith.constant 3 : i32
              %shift_right_arithmetic3A_131 = arith.shrsi %while3A_129, %shift_right_arithmetic3A : i32
              %shift_left3A = arith.constant 5 : i32
              %shift_left3A_132 = arith.shli %shift_right_arithmetic3A_131, %shift_left3A : i32
              %and3A_133 = arith.constant 7 : i32
              %and3A_134 = arith.andi %while3A_129, %and3A_133 : i32
              %add3A_135 = arith.addi %shift_left3A_132, %and3A_134 : i32
              %scan3A_136 = arith.constant 0 : i32
              %scan3A_137 = arith.constant 8 : i32
              %scan3A_138 = arith.addi %scan3A_136, %scan3A_137 : i32
              %scan3A_139 = arith.constant 1 : i32
              scf.for %scan3A_157 = %scan3A_136 to %scan3A_138 step %scan3A_139  : i32 {
                %mul3A_158 = arith.constant 16 : i32
                %mul3A_159 = arith.muli %scan3A_157, %mul3A_158 : i32
                %add3A_160 = arith.constant 0 : i32
                %add3A_161 = arith.addi %add3A_160, %mul3A_159 : i32
                %broadcast_in_dim3A = arith.constant 0.000000e+00 : f32
                %broadcast_in_dim3A_162 = vector.broadcast %broadcast_in_dim3A : f32 to vector<16xf32>
                %add3A_163 = arith.constant 0 : i32
                %add3A_164 = arith.addi %add3A_135, %add3A_163 : i32
                %swap3A = arith.index_cast %add3A_164 : i32 to index
                %swap3A_165 = arith.index_cast %add3A_161 : i32 to index
                %swap3A_166 = tpu.vector_load %arg5[%swap3A, %swap3A_165] {strides = array<i32>} : memref<128x128xf32, #tpu.memory_space<vmem>>, vector<1x16xf32>,
                %swap3A_167 = vector.shape_cast %swap3A_166 : vector<1x16xf32> to vector<16xf32>
                %swap3A_168 = vector.shape_cast %broadcast_in_dim3A_162 : vector<16xf32> to vector<1x16xf32>
                tpu.vector_store %arg5[%swap3A, %swap3A_165], %swap3A_168 {strides = array<i32>} : memref<128x128xf32, #tpu.memory_space<vmem>>, vector<1x16xf32>,
              }
              %scan3A_140 = arith.constant 8 : i32
              %scan3A_141 = arith.constant 0 : i32
              %scan3A_142 = arith.constant 8 : i32
              %scan3A_143 = arith.addi %scan3A_141, %scan3A_142 : i32
              %scan3A_144 = arith.constant 1 : i32
              scf.for %scan3A_157 = %scan3A_141 to %scan3A_143 step %scan3A_144  : i32 {
                %mul3A_158 = arith.constant 16 : i32
                %mul3A_159 = arith.muli %scan3A_157, %mul3A_158 : i32
                %add3A_160 = arith.constant 0 : i32
                %add3A_161 = arith.addi %add3A_160, %mul3A_159 : i32
                %broadcast_in_dim3A = arith.constant 0.000000e+00 : f32
                %broadcast_in_dim3A_162 = vector.broadcast %broadcast_in_dim3A : f32 to vector<16xf32>
                %add3A_163 = arith.constant 8 : i32
                %add3A_164 = arith.addi %add3A_135, %add3A_163 : i32
                %swap3A = arith.index_cast %add3A_164 : i32 to index
                %swap3A_165 = arith.index_cast %add3A_161 : i32 to index
                %swap3A_166 = tpu.vector_load %arg5[%swap3A, %swap3A_165] {strides = array<i32>} : memref<128x128xf32, #tpu.memory_space<vmem>>, vector<1x16xf32>,
                %swap3A_167 = vector.shape_cast %swap3A_166 : vector<1x16xf32> to vector<16xf32>
                %swap3A_168 = vector.shape_cast %broadcast_in_dim3A_162 : vector<16xf32> to vector<1x16xf32>
                tpu.vector_store %arg5[%swap3A, %swap3A_165], %swap3A_168 {strides = array<i32>} : memref<128x128xf32, #tpu.memory_space<vmem>>, vector<1x16xf32>,
              }
              %scan3A_145 = arith.constant 8 : i32
              %scan3A_146 = arith.constant 0 : i32
              %scan3A_147 = arith.constant 8 : i32
              %scan3A_148 = arith.addi %scan3A_146, %scan3A_147 : i32
              %scan3A_149 = arith.constant 1 : i32
              scf.for %scan3A_157 = %scan3A_146 to %scan3A_148 step %scan3A_149  : i32 {
                %mul3A_158 = arith.constant 16 : i32
                %mul3A_159 = arith.muli %scan3A_157, %mul3A_158 : i32
                %add3A_160 = arith.constant 0 : i32
                %add3A_161 = arith.addi %add3A_160, %mul3A_159 : i32
                %broadcast_in_dim3A = arith.constant 0.000000e+00 : f32
                %broadcast_in_dim3A_162 = vector.broadcast %broadcast_in_dim3A : f32 to vector<16xf32>
                %add3A_163 = arith.constant 16 : i32
                %add3A_164 = arith.addi %add3A_135, %add3A_163 : i32
                %swap3A = arith.index_cast %add3A_164 : i32 to index
                %swap3A_165 = arith.index_cast %add3A_161 : i32 to index
                %swap3A_166 = tpu.vector_load %arg5[%swap3A, %swap3A_165] {strides = array<i32>} : memref<128x128xf32, #tpu.memory_space<vmem>>, vector<1x16xf32>,
                %swap3A_167 = vector.shape_cast %swap3A_166 : vector<1x16xf32> to vector<16xf32>
                %swap3A_168 = vector.shape_cast %broadcast_in_dim3A_162 : vector<16xf32> to vector<1x16xf32>
                tpu.vector_store %arg5[%swap3A, %swap3A_165], %swap3A_168 {strides = array<i32>} : memref<128x128xf32, #tpu.memory_space<vmem>>, vector<1x16xf32>,
              }
              %scan3A_150 = arith.constant 8 : i32
              %scan3A_151 = arith.constant 0 : i32
              %scan3A_152 = arith.constant 8 : i32
              %scan3A_153 = arith.addi %scan3A_151, %scan3A_152 : i32
              %scan3A_154 = arith.constant 1 : i32
              scf.for %scan3A_157 = %scan3A_151 to %scan3A_153 step %scan3A_154  : i32 {
                %mul3A_158 = arith.constant 16 : i32
                %mul3A_159 = arith.muli %scan3A_157, %mul3A_158 : i32
                %add3A_160 = arith.constant 0 : i32
                %add3A_161 = arith.addi %add3A_160, %mul3A_159 : i32
                %broadcast_in_dim3A = arith.constant 0.000000e+00 : f32
                %broadcast_in_dim3A_162 = vector.broadcast %broadcast_in_dim3A : f32 to vector<16xf32>
                %add3A_163 = arith.constant 24 : i32
                %add3A_164 = arith.addi %add3A_135, %add3A_163 : i32
                %swap3A = arith.index_cast %add3A_164 : i32 to index
                %swap3A_165 = arith.index_cast %add3A_161 : i32 to index
                %swap3A_166 = tpu.vector_load %arg5[%swap3A, %swap3A_165] {strides = array<i32>} : memref<128x128xf32, #tpu.memory_space<vmem>>, vector<1x16xf32>,
                %swap3A_167 = vector.shape_cast %swap3A_166 : vector<1x16xf32> to vector<16xf32>
                %swap3A_168 = vector.shape_cast %broadcast_in_dim3A_162 : vector<16xf32> to vector<1x16xf32>
                tpu.vector_store %arg5[%swap3A, %swap3A_165], %swap3A_168 {strides = array<i32>} : memref<128x128xf32, #tpu.memory_space<vmem>>, vector<1x16xf32>,
              }
              %scan3A_155 = arith.constant 8 : i32
              %while3A_156 = arith.constant 0 : i32
              scf.yield %while3A_156 : i32
            }
          } else {
          }
          %slice3A_113 = vector.extract_strided_slice %get3A_40 {offsets = [2], sizes = [1], strides = [1]} : vector<16xi32> to vector<1xi32>
          %squeeze3A_114 = vector.extract %slice3A_113[0] : i32 from vector<1xi32>
          %dma_start3A = arith.constant 0 : i32
          %dma_start3A_115 = tpu.memref_slice %arg4[%squeeze3A_114, %dma_start3A] : memref<131072x128xf32, #tpu.memory_space<hbm>> -> memref<128x128xf32, #tpu.memory_space<hbm>>
          %dma_start3A_116 = arith.constant 0 : i32
          %dma_start3A_117 = tpu.memref_slice %arg4[%squeeze3A_114, %dma_start3A_116] : memref<131072x128xf32, #tpu.memory_space<hbm>> -> memref<128x128xf32, #tpu.memory_space<hbm>>
          tpu.enqueue_dma source(%arg5 : memref<128x128xf32, #tpu.memory_space<vmem>>) target(%dma_start3A_117 : memref<128x128xf32, #tpu.memory_space<hbm>>) target_semaphore(%arg13 : memref<!tpu.dma_semaphore, #tpu.memory_space<semaphore_mem>>)
        } else {
        }
        %sub3A_83 = arith.constant 1 : i32
        %sub3A_84 = arith.subi %scan3A_29, %sub3A_83 : i32
        %jit3A_85 = arith.constant 2 : i32
        %eq3A_86 = arith.constant 0 : i32
        %eq3A_87 = arith.cmpi eq, %jit3A_85, %eq3A_86 : i32
        %jit3A_88 = arith.constant 1 : i32
        %select_n3A_89 = arith.select %eq3A_87, %jit3A_88, %jit3A_85 : i32
        %rem3A_90 = arith.remsi %sub3A_84, %select_n3A_89 : i32
        %ne3A_91 = arith.constant 0 : i32
        %ne3A_92 = arith.cmpi ne, %rem3A_90, %ne3A_91 : i32
        %lt3A_93 = arith.constant 0 : i32
        %lt3A_94 = arith.cmpi slt, %rem3A_90, %lt3A_93 : i32
        %lt3A_95 = arith.constant 0 : i32
        %lt3A_96 = arith.cmpi slt, %select_n3A_89, %lt3A_95 : i32
        %ne3A_97 = arith.xori %lt3A_94, %lt3A_96 : i1
        %and3A_98 = arith.andi %ne3A_97, %ne3A_92 : i1
        %add3A_99 = arith.addi %rem3A_90, %select_n3A_89 : i32
        %select_n3A_100 = arith.select %and3A_98, %add3A_99, %rem3A_90 : i32
        %eq3A_101 = arith.constant 1 : i32
        %eq3A_102 = arith.cmpi eq, %select_n3A_100, %eq3A_101 : i32
        %convert_element_type3A_103 = arith.extui %eq3A_102 : i1 to i32
        %cond3A_104 = arith.constant 0 : i32
        %cond3A_105 = arith.cmpi ne, %convert_element_type3A_103, %cond3A_104 : i32
        scf.if %cond3A_105 {
          %dma_wait3A = arith.constant 0 : i32
          %dma_wait3A_106 = arith.constant 0 : i32
          %dma_wait3A_107 = tpu.memref_slice %arg2[%dma_wait3A, %dma_wait3A_106] : memref<65536x128xf32, #tpu.memory_space<hbm>> -> memref<65536x128xf32, #tpu.memory_space<hbm>>
          tpu.wait_indirect_dma semaphore(%arg12 : memref<!tpu.dma_semaphore, #tpu.memory_space<semaphore_mem>>) src(%dma_wait3A_107 : memref<65536x128xf32, #tpu.memory_space<hbm>>) dst(%arg6 : memref<128x128xf32, #tpu.memory_space<vmem>>)
          %lt3A_108 = arith.constant 32 : i32
          %lt3A_109 = arith.cmpi slt, %squeeze3A_62, %lt3A_108 : i32
          %convert_element_type3A_110 = arith.extui %lt3A_109 : i1 to i32
          %cond3A_111 = arith.constant 0 : i32
          %cond3A_112 = arith.cmpi ne, %convert_element_type3A_110, %cond3A_111 : i32
          scf.if %cond3A_112 {
            %while3A = arith.constant 32 : i32
            %while3A_118 = arith.constant 0 : i32
            %while3A_119 = arith.subi %while3A, %squeeze3A_62 : i32
            %while3A_120 = arith.addi %squeeze3A_62, %while3A_119 : i32
            %while3A_121 = arith.constant 1 : i32
            %while3A_122 = arith.divsi %while3A_119, %while3A_121 : i32
            %while3A_123 = arith.muli %while3A_122, %while3A_121 : i32
            %while3A_124 = arith.addi %squeeze3A_62, %while3A_123 : i32
            %while3A_125 = arith.constant 1 : i32
            %while3A_126 = scf.for %while3A_129 = %squeeze3A_62 to %while3A_124 step %while3A_125 iter_args(%while3A_130 = %while3A_118) -> (i32)  : i32 {
              %shift_right_arithmetic3A = arith.constant 3 : i32
              %shift_right_arithmetic3A_131 = arith.shrsi %while3A_129, %shift_right_arithmetic3A : i32
              %shift_left3A = arith.constant 5 : i32
              %shift_left3A_132 = arith.shli %shift_right_arithmetic3A_131, %shift_left3A : i32
              %and3A_133 = arith.constant 7 : i32
              %and3A_134 = arith.andi %while3A_129, %and3A_133 : i32
              %add3A_135 = arith.addi %shift_left3A_132, %and3A_134 : i32
              %scan3A_136 = arith.constant 0 : i32
              %scan3A_137 = arith.constant 8 : i32
              %scan3A_138 = arith.addi %scan3A_136, %scan3A_137 : i32
              %scan3A_139 = arith.constant 1 : i32
              scf.for %scan3A_157 = %scan3A_136 to %scan3A_138 step %scan3A_139  : i32 {
                %mul3A_158 = arith.constant 16 : i32
                %mul3A_159 = arith.muli %scan3A_157, %mul3A_158 : i32
                %add3A_160 = arith.constant 0 : i32
                %add3A_161 = arith.addi %add3A_160, %mul3A_159 : i32
                %broadcast_in_dim3A = arith.constant 0.000000e+00 : f32
                %broadcast_in_dim3A_162 = vector.broadcast %broadcast_in_dim3A : f32 to vector<16xf32>
                %add3A_163 = arith.constant 0 : i32
                %add3A_164 = arith.addi %add3A_135, %add3A_163 : i32
                %swap3A = arith.index_cast %add3A_164 : i32 to index
                %swap3A_165 = arith.index_cast %add3A_161 : i32 to index
                %swap3A_166 = tpu.vector_load %arg6[%swap3A, %swap3A_165] {strides = array<i32>} : memref<128x128xf32, #tpu.memory_space<vmem>>, vector<1x16xf32>,
                %swap3A_167 = vector.shape_cast %swap3A_166 : vector<1x16xf32> to vector<16xf32>
                %swap3A_168 = vector.shape_cast %broadcast_in_dim3A_162 : vector<16xf32> to vector<1x16xf32>
                tpu.vector_store %arg6[%swap3A, %swap3A_165], %swap3A_168 {strides = array<i32>} : memref<128x128xf32, #tpu.memory_space<vmem>>, vector<1x16xf32>,
              }
              %scan3A_140 = arith.constant 8 : i32
              %scan3A_141 = arith.constant 0 : i32
              %scan3A_142 = arith.constant 8 : i32
              %scan3A_143 = arith.addi %scan3A_141, %scan3A_142 : i32
              %scan3A_144 = arith.constant 1 : i32
              scf.for %scan3A_157 = %scan3A_141 to %scan3A_143 step %scan3A_144  : i32 {
                %mul3A_158 = arith.constant 16 : i32
                %mul3A_159 = arith.muli %scan3A_157, %mul3A_158 : i32
                %add3A_160 = arith.constant 0 : i32
                %add3A_161 = arith.addi %add3A_160, %mul3A_159 : i32
                %broadcast_in_dim3A = arith.constant 0.000000e+00 : f32
                %broadcast_in_dim3A_162 = vector.broadcast %broadcast_in_dim3A : f32 to vector<16xf32>
                %add3A_163 = arith.constant 8 : i32
                %add3A_164 = arith.addi %add3A_135, %add3A_163 : i32
                %swap3A = arith.index_cast %add3A_164 : i32 to index
                %swap3A_165 = arith.index_cast %add3A_161 : i32 to index
                %swap3A_166 = tpu.vector_load %arg6[%swap3A, %swap3A_165] {strides = array<i32>} : memref<128x128xf32, #tpu.memory_space<vmem>>, vector<1x16xf32>,
                %swap3A_167 = vector.shape_cast %swap3A_166 : vector<1x16xf32> to vector<16xf32>
                %swap3A_168 = vector.shape_cast %broadcast_in_dim3A_162 : vector<16xf32> to vector<1x16xf32>
                tpu.vector_store %arg6[%swap3A, %swap3A_165], %swap3A_168 {strides = array<i32>} : memref<128x128xf32, #tpu.memory_space<vmem>>, vector<1x16xf32>,
              }
              %scan3A_145 = arith.constant 8 : i32
              %scan3A_146 = arith.constant 0 : i32
              %scan3A_147 = arith.constant 8 : i32
              %scan3A_148 = arith.addi %scan3A_146, %scan3A_147 : i32
              %scan3A_149 = arith.constant 1 : i32
              scf.for %scan3A_157 = %scan3A_146 to %scan3A_148 step %scan3A_149  : i32 {
                %mul3A_158 = arith.constant 16 : i32
                %mul3A_159 = arith.muli %scan3A_157, %mul3A_158 : i32
                %add3A_160 = arith.constant 0 : i32
                %add3A_161 = arith.addi %add3A_160, %mul3A_159 : i32
                %broadcast_in_dim3A = arith.constant 0.000000e+00 : f32
                %broadcast_in_dim3A_162 = vector.broadcast %broadcast_in_dim3A : f32 to vector<16xf32>
                %add3A_163 = arith.constant 16 : i32
                %add3A_164 = arith.addi %add3A_135, %add3A_163 : i32
                %swap3A = arith.index_cast %add3A_164 : i32 to index
                %swap3A_165 = arith.index_cast %add3A_161 : i32 to index
                %swap3A_166 = tpu.vector_load %arg6[%swap3A, %swap3A_165] {strides = array<i32>} : memref<128x128xf32, #tpu.memory_space<vmem>>, vector<1x16xf32>,
                %swap3A_167 = vector.shape_cast %swap3A_166 : vector<1x16xf32> to vector<16xf32>
                %swap3A_168 = vector.shape_cast %broadcast_in_dim3A_162 : vector<16xf32> to vector<1x16xf32>
                tpu.vector_store %arg6[%swap3A, %swap3A_165], %swap3A_168 {strides = array<i32>} : memref<128x128xf32, #tpu.memory_space<vmem>>, vector<1x16xf32>,
              }
              %scan3A_150 = arith.constant 8 : i32
              %scan3A_151 = arith.constant 0 : i32
              %scan3A_152 = arith.constant 8 : i32
              %scan3A_153 = arith.addi %scan3A_151, %scan3A_152 : i32
              %scan3A_154 = arith.constant 1 : i32
              scf.for %scan3A_157 = %scan3A_151 to %scan3A_153 step %scan3A_154  : i32 {
                %mul3A_158 = arith.constant 16 : i32
                %mul3A_159 = arith.muli %scan3A_157, %mul3A_158 : i32
                %add3A_160 = arith.constant 0 : i32
                %add3A_161 = arith.addi %add3A_160, %mul3A_159 : i32
                %broadcast_in_dim3A = arith.constant 0.000000e+00 : f32
                %broadcast_in_dim3A_162 = vector.broadcast %broadcast_in_dim3A : f32 to vector<16xf32>
                %add3A_163 = arith.constant 24 : i32
                %add3A_164 = arith.addi %add3A_135, %add3A_163 : i32
                %swap3A = arith.index_cast %add3A_164 : i32 to index
                %swap3A_165 = arith.index_cast %add3A_161 : i32 to index
                %swap3A_166 = tpu.vector_load %arg6[%swap3A, %swap3A_165] {strides = array<i32>} : memref<128x128xf32, #tpu.memory_space<vmem>>, vector<1x16xf32>,
                %swap3A_167 = vector.shape_cast %swap3A_166 : vector<1x16xf32> to vector<16xf32>
                %swap3A_168 = vector.shape_cast %broadcast_in_dim3A_162 : vector<16xf32> to vector<1x16xf32>
                tpu.vector_store %arg6[%swap3A, %swap3A_165], %swap3A_168 {strides = array<i32>} : memref<128x128xf32, #tpu.memory_space<vmem>>, vector<1x16xf32>,
              }
              %scan3A_155 = arith.constant 8 : i32
              %while3A_156 = arith.constant 0 : i32
              scf.yield %while3A_156 : i32
            }
            %while3A_127 = arith.constant 1 : i32
            %while3A_128 = scf.for %while3A_129 = %while3A_124 to %while3A_120 step %while3A_127 iter_args(%while3A_130 = %while3A_126) -> (i32)  : i32 {
              %shift_right_arithmetic3A = arith.constant 3 : i32
              %shift_right_arithmetic3A_131 = arith.shrsi %while3A_129, %shift_right_arithmetic3A : i32
              %shift_left3A = arith.constant 5 : i32
              %shift_left3A_132 = arith.shli %shift_right_arithmetic3A_131, %shift_left3A : i32
              %and3A_133 = arith.constant 7 : i32
              %and3A_134 = arith.andi %while3A_129, %and3A_133 : i32
              %add3A_135 = arith.addi %shift_left3A_132, %and3A_134 : i32
              %scan3A_136 = arith.constant 0 : i32
              %scan3A_137 = arith.constant 8 : i32
              %scan3A_138 = arith.addi %scan3A_136, %scan3A_137 : i32
              %scan3A_139 = arith.constant 1 : i32
              scf.for %scan3A_157 = %scan3A_136 to %scan3A_138 step %scan3A_139  : i32 {
                %mul3A_158 = arith.constant 16 : i32
                %mul3A_159 = arith.muli %scan3A_157, %mul3A_158 : i32
                %add3A_160 = arith.constant 0 : i32
                %add3A_161 = arith.addi %add3A_160, %mul3A_159 : i32
                %broadcast_in_dim3A = arith.constant 0.000000e+00 : f32
                %broadcast_in_dim3A_162 = vector.broadcast %broadcast_in_dim3A : f32 to vector<16xf32>
                %add3A_163 = arith.constant 0 : i32
                %add3A_164 = arith.addi %add3A_135, %add3A_163 : i32
                %swap3A = arith.index_cast %add3A_164 : i32 to index
                %swap3A_165 = arith.index_cast %add3A_161 : i32 to index
                %swap3A_166 = tpu.vector_load %arg6[%swap3A, %swap3A_165] {strides = array<i32>} : memref<128x128xf32, #tpu.memory_space<vmem>>, vector<1x16xf32>,
                %swap3A_167 = vector.shape_cast %swap3A_166 : vector<1x16xf32> to vector<16xf32>
                %swap3A_168 = vector.shape_cast %broadcast_in_dim3A_162 : vector<16xf32> to vector<1x16xf32>
                tpu.vector_store %arg6[%swap3A, %swap3A_165], %swap3A_168 {strides = array<i32>} : memref<128x128xf32, #tpu.memory_space<vmem>>, vector<1x16xf32>,
              }
              %scan3A_140 = arith.constant 8 : i32
              %scan3A_141 = arith.constant 0 : i32
              %scan3A_142 = arith.constant 8 : i32
              %scan3A_143 = arith.addi %scan3A_141, %scan3A_142 : i32
              %scan3A_144 = arith.constant 1 : i32
              scf.for %scan3A_157 = %scan3A_141 to %scan3A_143 step %scan3A_144  : i32 {
                %mul3A_158 = arith.constant 16 : i32
                %mul3A_159 = arith.muli %scan3A_157, %mul3A_158 : i32
                %add3A_160 = arith.constant 0 : i32
                %add3A_161 = arith.addi %add3A_160, %mul3A_159 : i32
                %broadcast_in_dim3A = arith.constant 0.000000e+00 : f32
                %broadcast_in_dim3A_162 = vector.broadcast %broadcast_in_dim3A : f32 to vector<16xf32>
                %add3A_163 = arith.constant 8 : i32
                %add3A_164 = arith.addi %add3A_135, %add3A_163 : i32
                %swap3A = arith.index_cast %add3A_164 : i32 to index
                %swap3A_165 = arith.index_cast %add3A_161 : i32 to index
                %swap3A_166 = tpu.vector_load %arg6[%swap3A, %swap3A_165] {strides = array<i32>} : memref<128x128xf32, #tpu.memory_space<vmem>>, vector<1x16xf32>,
                %swap3A_167 = vector.shape_cast %swap3A_166 : vector<1x16xf32> to vector<16xf32>
                %swap3A_168 = vector.shape_cast %broadcast_in_dim3A_162 : vector<16xf32> to vector<1x16xf32>
                tpu.vector_store %arg6[%swap3A, %swap3A_165], %swap3A_168 {strides = array<i32>} : memref<128x128xf32, #tpu.memory_space<vmem>>, vector<1x16xf32>,
              }
              %scan3A_145 = arith.constant 8 : i32
              %scan3A_146 = arith.constant 0 : i32
              %scan3A_147 = arith.constant 8 : i32
              %scan3A_148 = arith.addi %scan3A_146, %scan3A_147 : i32
              %scan3A_149 = arith.constant 1 : i32
              scf.for %scan3A_157 = %scan3A_146 to %scan3A_148 step %scan3A_149  : i32 {
                %mul3A_158 = arith.constant 16 : i32
                %mul3A_159 = arith.muli %scan3A_157, %mul3A_158 : i32
                %add3A_160 = arith.constant 0 : i32
                %add3A_161 = arith.addi %add3A_160, %mul3A_159 : i32
                %broadcast_in_dim3A = arith.constant 0.000000e+00 : f32
                %broadcast_in_dim3A_162 = vector.broadcast %broadcast_in_dim3A : f32 to vector<16xf32>
                %add3A_163 = arith.constant 16 : i32
                %add3A_164 = arith.addi %add3A_135, %add3A_163 : i32
                %swap3A = arith.index_cast %add3A_164 : i32 to index
                %swap3A_165 = arith.index_cast %add3A_161 : i32 to index
                %swap3A_166 = tpu.vector_load %arg6[%swap3A, %swap3A_165] {strides = array<i32>} : memref<128x128xf32, #tpu.memory_space<vmem>>, vector<1x16xf32>,
                %swap3A_167 = vector.shape_cast %swap3A_166 : vector<1x16xf32> to vector<16xf32>
                %swap3A_168 = vector.shape_cast %broadcast_in_dim3A_162 : vector<16xf32> to vector<1x16xf32>
                tpu.vector_store %arg6[%swap3A, %swap3A_165], %swap3A_168 {strides = array<i32>} : memref<128x128xf32, #tpu.memory_space<vmem>>, vector<1x16xf32>,
              }
              %scan3A_150 = arith.constant 8 : i32
              %scan3A_151 = arith.constant 0 : i32
              %scan3A_152 = arith.constant 8 : i32
              %scan3A_153 = arith.addi %scan3A_151, %scan3A_152 : i32
              %scan3A_154 = arith.constant 1 : i32
              scf.for %scan3A_157 = %scan3A_151 to %scan3A_153 step %scan3A_154  : i32 {
                %mul3A_158 = arith.constant 16 : i32
                %mul3A_159 = arith.muli %scan3A_157, %mul3A_158 : i32
                %add3A_160 = arith.constant 0 : i32
                %add3A_161 = arith.addi %add3A_160, %mul3A_159 : i32
                %broadcast_in_dim3A = arith.constant 0.000000e+00 : f32
                %broadcast_in_dim3A_162 = vector.broadcast %broadcast_in_dim3A : f32 to vector<16xf32>
                %add3A_163 = arith.constant 24 : i32
                %add3A_164 = arith.addi %add3A_135, %add3A_163 : i32
                %swap3A = arith.index_cast %add3A_164 : i32 to index
                %swap3A_165 = arith.index_cast %add3A_161 : i32 to index
                %swap3A_166 = tpu.vector_load %arg6[%swap3A, %swap3A_165] {strides = array<i32>} : memref<128x128xf32, #tpu.memory_space<vmem>>, vector<1x16xf32>,
                %swap3A_167 = vector.shape_cast %swap3A_166 : vector<1x16xf32> to vector<16xf32>
                %swap3A_168 = vector.shape_cast %broadcast_in_dim3A_162 : vector<16xf32> to vector<1x16xf32>
                tpu.vector_store %arg6[%swap3A, %swap3A_165], %swap3A_168 {strides = array<i32>} : memref<128x128xf32, #tpu.memory_space<vmem>>, vector<1x16xf32>,
              }
              %scan3A_155 = arith.constant 8 : i32
              %while3A_156 = arith.constant 0 : i32
              scf.yield %while3A_156 : i32
            }
          } else {
          }
          %slice3A_113 = vector.extract_strided_slice %get3A_40 {offsets = [2], sizes = [1], strides = [1]} : vector<16xi32> to vector<1xi32>
          %squeeze3A_114 = vector.extract %slice3A_113[0] : i32 from vector<1xi32>
          %dma_start3A = arith.constant 0 : i32
          %dma_start3A_115 = tpu.memref_slice %arg4[%squeeze3A_114, %dma_start3A] : memref<131072x128xf32, #tpu.memory_space<hbm>> -> memref<128x128xf32, #tpu.memory_space<hbm>>
          %dma_start3A_116 = arith.constant 0 : i32
          %dma_start3A_117 = tpu.memref_slice %arg4[%squeeze3A_114, %dma_start3A_116] : memref<131072x128xf32, #tpu.memory_space<hbm>> -> memref<128x128xf32, #tpu.memory_space<hbm>>
          tpu.enqueue_dma source(%arg6 : memref<128x128xf32, #tpu.memory_space<vmem>>) target(%dma_start3A_117 : memref<128x128xf32, #tpu.memory_space<hbm>>) target_semaphore(%arg14 : memref<!tpu.dma_semaphore, #tpu.memory_space<semaphore_mem>>)
        } else {
        }
      } else {
      }
      %sub3A_47 = arith.constant 1 : i32
      %sub3A_48 = arith.subi %scan3A_29, %sub3A_47 : i32
      %and3A_49 = arith.constant 1 : i32
      %and3A_50 = arith.andi %sub3A_48, %and3A_49 : i32
      %eq3A = arith.constant 0 : i32
      %eq3A_51 = arith.cmpi eq, %and3A_50, %eq3A : i32
      %and3A_52 = arith.andi %and3A, %eq3A_51 : i1
      %slice3A_53 = vector.extract_strided_slice %get3A_40 {offsets = [2], sizes = [1], strides = [1]} : vector<16xi32> to vector<1xi32>
      %squeeze3A_54 = vector.extract %slice3A_53[0] : i32 from vector<1xi32>
      %select_n3A = arith.select %and3A_52, %squeeze3A_54, %scan3A_30 : i32
      %eq3A_55 = arith.constant 1 : i32
      %eq3A_56 = arith.cmpi eq, %and3A_50, %eq3A_55 : i32
      %and3A_57 = arith.andi %and3A, %eq3A_56 : i1
      %slice3A_58 = vector.extract_strided_slice %get3A_40 {offsets = [2], sizes = [1], strides = [1]} : vector<16xi32> to vector<1xi32>
      %squeeze3A_59 = vector.extract %slice3A_58[0] : i32 from vector<1xi32>
      %select_n3A_60 = arith.select %and3A_57, %squeeze3A_59, %scan3A_31 : i32
      scf.yield %select_n3A, %select_n3A_60 : i32, i32
    }
    %scan3A_14 = arith.constant 33 : i32
    %ge3A = arith.constant 0 : i32
    %ge3A_15 = arith.cmpi sge, %scan3A_13#0, %ge3A : i32
    %convert_element_type3A = arith.extui %ge3A_15 : i1 to i32
    %cond3A = arith.constant 0 : i32
    %cond3A_16 = arith.cmpi ne, %convert_element_type3A, %cond3A : i32
    scf.if %cond3A_16 {
      %dma_wait3A = arith.constant 0 : i32
      %dma_wait3A_29 = tpu.memref_slice %arg4[%scan3A_13#0, %dma_wait3A] : memref<131072x128xf32, #tpu.memory_space<hbm>> -> memref<128x128xf32, #tpu.memory_space<hbm>>
      %dma_wait3A_30 = arith.constant 0 : i32
      %dma_wait3A_31 = tpu.memref_slice %arg4[%scan3A_13#0, %dma_wait3A_30] : memref<131072x128xf32, #tpu.memory_space<hbm>> -> memref<128x128xf32, #tpu.memory_space<hbm>>
      tpu.wait_dma2 semaphore(%arg13 : memref<!tpu.dma_semaphore, #tpu.memory_space<semaphore_mem>>) src(%arg5 : memref<128x128xf32, #tpu.memory_space<vmem>>) dst(%dma_wait3A_31 : memref<128x128xf32, #tpu.memory_space<hbm>>)
    } else {
    }
    %ge3A_17 = arith.constant 0 : i32
    %ge3A_18 = arith.cmpi sge, %scan3A_13#1, %ge3A_17 : i32
    %convert_element_type3A_19 = arith.extui %ge3A_18 : i1 to i32
    %cond3A_20 = arith.constant 0 : i32
    %cond3A_21 = arith.cmpi ne, %convert_element_type3A_19, %cond3A_20 : i32
    scf.if %cond3A_21 {
      %dma_wait3A = arith.constant 0 : i32
      %dma_wait3A_29 = tpu.memref_slice %arg4[%scan3A_13#1, %dma_wait3A] : memref<131072x128xf32, #tpu.memory_space<hbm>> -> memref<128x128xf32, #tpu.memory_space<hbm>>
      %dma_wait3A_30 = arith.constant 0 : i32
      %dma_wait3A_31 = tpu.memref_slice %arg4[%scan3A_13#1, %dma_wait3A_30] : memref<131072x128xf32, #tpu.memory_space<hbm>> -> memref<128x128xf32, #tpu.memory_space<hbm>>
      tpu.wait_dma2 semaphore(%arg14 : memref<!tpu.dma_semaphore, #tpu.memory_space<semaphore_mem>>) src(%arg6 : memref<128x128xf32, #tpu.memory_space<vmem>>) dst(%dma_wait3A_31 : memref<128x128xf32, #tpu.memory_space<hbm>>)
    } else {
    }
    %scan3A_22 = arith.constant 0 : i32
    %scan3A_23 = arith.constant 0 : i32
    %scan3A_24 = arith.constant 32 : i32
    %scan3A_25 = arith.addi %scan3A_23, %scan3A_24 : i32
    %scan3A_26 = arith.constant 1 : i32
    %scan3A_27 = scf.for %scan3A_29 = %scan3A_23 to %scan3A_25 step %scan3A_26 iter_args(%scan3A_30 = %scan3A_22) -> (i32)  : i32 {
      %get3A = arith.index_cast %scan3A_29 : i32 to index
      %get3A_31 = arith.constant 0 : index
      %get3A_32 = tpu.vector_load %arg8[%get3A, %get3A_31] {strides = array<i32>} : memref<32x16xi32, #tpu.memory_space<vmem>>, vector<1x16xi32>,
      %get3A_33 = vector.shape_cast %get3A_32 : vector<1x16xi32> to vector<16xi32>
      %slice3A = vector.extract_strided_slice %get3A_33 {offsets = [1], sizes = [1], strides = [1]} : vector<16xi32> to vector<1xi32>
      %squeeze3A = vector.extract %slice3A[0] : i32 from vector<1xi32>
      %eq3A = arith.constant 0 : i32
      %eq3A_34 = arith.cmpi eq, %squeeze3A, %eq3A : i32
      %convert_element_type3A_35 = arith.extui %eq3A_34 : i1 to i32
      %cond3A_36 = arith.constant 0 : i32
      %cond3A_37 = arith.cmpi ne, %convert_element_type3A_35, %cond3A_36 : i32
      scf.if %cond3A_37 {
        %slice3A_39 = vector.extract_strided_slice %get3A_33 {offsets = [2], sizes = [1], strides = [1]} : vector<16xi32> to vector<1xi32>
        %squeeze3A_40 = vector.extract %slice3A_39[0] : i32 from vector<1xi32>
        %dma_wait3A = arith.constant 0 : i32
        %dma_wait3A_41 = tpu.memref_slice %arg4[%squeeze3A_40, %dma_wait3A] : memref<131072x128xf32, #tpu.memory_space<hbm>> -> memref<128x128xf32, #tpu.memory_space<hbm>>
        %dma_wait3A_42 = arith.constant 0 : i32
        %dma_wait3A_43 = tpu.memref_slice %arg4[%squeeze3A_40, %dma_wait3A_42] : memref<131072x128xf32, #tpu.memory_space<hbm>> -> memref<128x128xf32, #tpu.memory_space<hbm>>
        tpu.wait_dma2 semaphore(%arg15 : memref<!tpu.dma_semaphore, #tpu.memory_space<semaphore_mem>>) src(%arg7 : memref<128x128xf32, #tpu.memory_space<vmem>>) dst(%dma_wait3A_43 : memref<128x128xf32, #tpu.memory_space<hbm>>)
      } else {
      }
      %scan3A_38 = arith.constant 0 : i32
      scf.yield %scan3A_38 : i32
    }
    %scan3A_28 = arith.constant 32 : i32
    return
  }
}

module attributes {stable_mosaic.version = 14 : i64} {
  func.func @_dmask_body(%arg0: memref<16x1xi32, #tpu.memory_space<vmem>>, %arg1: memref<16x2048xi32, #tpu.memory_space<vmem>>) attributes {dimension_semantics = [], scalar_prefetch = 0 : i64, scratch_operands = 0 : i64, tpu.core_type = #tpu.core_type<tc>} {
    %iota3A = tpu.iota {dimensions = array<i32: 1>} : vector<16x2048xi32>
    %get3A = arith.constant 0 : index
    %get3A_0 = arith.constant 0 : index
    %get3A_1 = vector.load %arg0[%get3A, %get3A_0] : memref<16x1xi32, #tpu.memory_space<vmem>>, vector<16x1xi32>
    %lt3A = vector.broadcast %get3A_1 : vector<16x1xi32> to vector<16x2048xi32>
    %lt3A_2 = arith.cmpi slt, %iota3A, %lt3A : vector<16x2048xi32>
    %swap3A = arith.constant 0 : index
    %swap3A_3 = arith.constant 0 : index
    %swap3A_4 = vector.load %arg1[%swap3A, %swap3A_3] : memref<16x2048xi32, #tpu.memory_space<vmem>>, vector<16x2048xi32>
    %swap3A_5 = arith.extui %lt3A_2 : vector<16x2048xi1> to vector<16x2048xi32>
    %swap3A_6 = arith.constant dense<0> : vector<16x2048xi32>
    %swap3A_7 = arith.cmpi ne, %swap3A_4, %swap3A_6 : vector<16x2048xi32>
    tpu.vector_store %arg1[%swap3A, %swap3A_3], %swap3A_5 {strides = array<i32>} : memref<16x2048xi32, #tpu.memory_space<vmem>>, vector<16x2048xi32>,
    return
  }
}

</mosaic_0001>

<sc_bundles>
// kernel: kernel.4.cloned.1.call-start
scs
__scs_entry_jumppad:
0x0: {  	(pc) =	sbr.rel $0x88, $3  }
0x1: {  	(tag) =	ssettag $0x0;
	lr =	simm.s32 $0x1  }
0x2: {  	[smem:$0x3F9F] =	sst lr;
	_ =	strace $0xD0000000  }
0x3: {  	_ = 	snop  }
0x4: {  	_ = 	snop  }
0x5: {  	_ = 	snop  }
0x6: {  	_ = 	snop  }
0x7: {  	_ = 	snop  }
__scs_overlays_trampoline_lowered:
0x8: {  	[smem:$0x3FAE] =	sst s0  }
0x9: {  	[smem:$0x3FAF] =	sst s1  }
0xa: {  	[smem:$0x3FB0] =	sst s2  }
0xb: {  	[smem:$0x3FB1] =	sst s3  }
0xc: {  	[smem:$0x3FB2] =	sst s4  }
0xd: {  	[smem:$0x3FB3] =	sst s5  }
0xe: {  	[smem:$0x3FB4] =	sst s6  }
0xf: {  	[smem:$0x3FB5] =	sst s7  }
0x10: {  	[smem:$0x3FB6] =	sst s8  }
0x11: {  	[smem:$0x3FB7] =	sst s9;
	s0 =	simm.s32 @!p0 $0x0  }
0x12: {  	s1 =	sld [smem:$0x3F9D];
	s0 =	simm.s32 @p0 $0x1  }
0x13: {  	[smem:$0x3FB8] =	sst s0;
	s0 =	simm.s32 @!p1 $0x0  }
0x14: {  	s2 =	sld [smem:$0x3F9C];
	s0 =	simm.s32 @p1 $0x1  }
0x15: {  	[smem:$0x3FB9] =	sst s0;
	s0 =	simm.s32 @!p2 $0x0  }
0x16: {  	s3 =	sld [smem:$0x3FDB];
	s0 =	simm.s32 @p2 $0x1  }
0x17: {  	s4 =	simm.s32 $0x1BF5;
	[smem:$0x3FBB] =	sst s0  }
0x18: {  	s0 =	sld [smem:$0x3F9E];
	_ =	swait.ge [sflag:s4], $0x0  }
0x19: {  	s7 =	sld [smem:$0x3F9F]  }
0x1a: {  	s8 =	sadd.s32 $0xFFFFE003, lr  }
0x1b: {  	s9 =	sadd.s32 $0xFFFFFEF7, lr;
	s5 =	simm.s32 $0xFFFFFFFF;
	p2 =	slt.u32 s8, $0xFFFFF086  }
0x1c: {  	p1 =	slt.u32 s9, $0xF7A;
	s5 =	simm.s32 @!p2 $0x0  }
0x1d: {  	s5 =	simm.s32 @p1 $0x1;
	p0 =	seq.s32 s7, s2  }
0x1e: {  	s7 =	smul.u32 @!p0 $0xF7A, s2;
	p2 =	seq.s32 @!p0 s5, $0x0  }
0x1f: {  	s9 =	smul.u32 $0xF7A, s1;
	s8 =	simm.s32 @!p0 $0x1BF5;
	p2 =	por !p2, p0  }
0x20: {  	[sflag:s8] =	ssyncset.s32 @!p0 $0xFFFFF086;
	s6 =	sadd.s32 @!p0 s3, s7;
	s7 =	simm.s32 @!p0 $0x108  }
0x21: {  	s3 =	sadd.s32 s3, s9;
	s6 =	sadd.s32 @!p0 $0x88, s6;
	s7 =	simm.s32 @p2 $0x1082  }
0x22: {  	[simem:s7], [sflag:s8] =	dma.local @!p0 [hbm:s6], $0xF7A  }
0x23: {  	s9 =	sor.u32 $0xD0000000, s2;
	s6 =	simm.s32 $0x108;
	_ =	swait.ge @!p0 [sflag:s8], $0x0  }
0x24: {  	s3 =	sadd.s32 $0x88, s3;
	s6 =	simm.s32 @!p1 $0x1082;
	[sflag:s4] =	ssyncset.s32 $0xFFFFF086  }
0x25: {  	[simem:s6], [sflag:s4] =	dma.local [hbm:s3], $0xF7A  }
0x26: {  	[smem:$0x3F9F] =	sst s1;
	(tag) =	ssettag s2;
	_ =	strace s9  }
0x27: {  	s1 =	sld [smem:$0x3FAF]  }
0x28: {  	s2 =	sld [smem:$0x3FB0]  }
0x29: {  	s4 =	sld [smem:$0x3FB2]  }
0x2a: {  	p0 =	seq.s32 s5, $0x0;
	s5 =	sld [smem:$0x3FB3]  }
0x2b: {  	s6 =	sld [smem:$0x3FB4]  }
0x2c: {  	s7 =	sld [smem:$0x3FB5]  }
0x2d: {  	s3 =	simm.s32 $0x108;
	s8 =	sld [smem:$0x3FB6]  }
0x2e: {  	s3 =	simm.s32 @!p0 $0x1082;
	s9 =	sld [smem:$0x3FB7]  }
0x2f: {  	lr =	sadd.s32 s0, s3;
	s0 =	sld [smem:$0x3FAE]  }
0x30: {  	s3 =	sld [smem:$0x3FB1]  }
0x31: {  	[smem:$0x3FBA] =	sst s10  }
0x32: {  	s10 =	sld [smem:$0x3FB8];
	_ =	sdelay $0x3  }
0x33: {  	p0 =	seq.s32 s10, $0x1;
	s10 =	sld [smem:$0x3FBA];
	_ =	sdelay $0x3  }
0x34: {  	[smem:$0x3FBA] =	sst s10  }
0x35: {  	s10 =	sld [smem:$0x3FB9];
	_ =	sdelay $0x3  }
0x36: {  	p1 =	seq.s32 s10, $0x1;
	s10 =	sld [smem:$0x3FBA];
	_ =	sdelay $0x3  }
0x37: {  	[smem:$0x3FBA] =	sst s10  }
0x38: {  	s10 =	sld [smem:$0x3FBB]  }
0x39: {  	_ = 	snop;
	(pc) =	sbr.ind lr, $3  }
0x3a: {  	_ = 	snop  }
0x3b: {  	_ = 	snop  }
0x3c: {  	p2 =	seq.s32 s10, $0x1;
	s10 =	sld [smem:$0x3FBA]  }
0x3d: {  	_ =	shalt  }
0x3e: {  	_ =	shalt  }
0x3f: {  	_ =	shalt  }
0x40: {  	_ =	shalt  }
0x41: {  	_ =	shalt  }
0x42: {  	_ =	shalt  }
0x43: {  	_ =	shalt  }
0x44: {  	_ =	shalt  }
0x45: {  	_ =	shalt  }
0x46: {  	_ =	shalt  }
0x47: {  	_ =	shalt  }
0x48: {  	_ =	shalt  }
0x49: {  	_ =	shalt  }
0x4a: {  	_ =	shalt  }
0x4b: {  	_ =	shalt  }
0x4c: {  	_ =	shalt  }
0x4d: {  	_ =	shalt  }
0x4e: {  	_ =	shalt  }
0x4f: {  	_ =	shalt  }
0x50: {  	_ =	shalt  }
0x51: {  	_ =	shalt  }
0x52: {  	_ =	shalt  }
0x53: {  	_ =	shalt  }
0x54: {  	_ =	shalt  }
0x55: {  	_ =	shalt  }
0x56: {  	_ =	shalt  }
0x57: {  	_ =	shalt  }
0x58: {  	_ =	shalt  }
0x59: {  	_ =	shalt  }
0x5a: {  	_ =	shalt  }
0x5b: {  	_ =	shalt  }
0x5c: {  	_ =	shalt  }
0x5d: {  	_ =	shalt  }
0x5e: {  	_ =	shalt  }
0x5f: {  	_ =	shalt  }
0x60: {  	_ =	shalt  }
0x61: {  	_ =	shalt  }
0x62: {  	_ =	shalt  }
0x63: {  	_ =	shalt  }
0x64: {  	_ =	shalt  }
0x65: {  	_ =	shalt  }
0x66: {  	_ =	shalt  }
0x67: {  	_ =	shalt  }
0x68: {  	_ =	shalt  }
0x69: {  	_ =	shalt  }
0x6a: {  	_ =	shalt  }
0x6b: {  	_ =	shalt  }
0x6c: {  	_ =	shalt  }
0x6d: {  	_ =	shalt  }
0x6e: {  	_ =	shalt  }
0x6f: {  	_ =	shalt  }
0x70: {  	_ =	shalt  }
0x71: {  	_ =	shalt  }
0x72: {  	_ =	shalt  }
0x73: {  	_ =	shalt  }
0x74: {  	_ =	shalt  }
0x75: {  	_ =	shalt  }
0x76: {  	_ =	shalt  }
0x77: {  	_ =	shalt  }
0x78: {  	_ =	shalt  }
0x79: {  	_ =	shalt  }
0x7a: {  	_ =	shalt  }
0x7b: {  	_ =	shalt  }
0x7c: {  	_ =	shalt  }
0x7d: {  	_ =	shalt  }
0x7e: {  	_ =	shalt  }
0x7f: {  	_ =	shalt  }
0x80: {  	_ =	shalt  }
0x81: {  	_ =	shalt  }
0x82: {  	_ =	shalt  }
0x83: {  	_ =	shalt  }
0x84: {  	_ =	shalt  }
0x85: {  	_ =	shalt  }
0x86: {  	_ =	shalt  }
0x87: {  	_ =	shalt  }
.Lfunc_end0:
.L_simem_size_0:
called_computation_lowered:
.L_overlay_start_0:
0x88: {  	s2 =	sld [smem:$0x3FD9]  }
0x89: {  	s3 =	sld [smem:$0x3FFE];
	_ =	sdelay $0x1  }
0x8a: {  	s1 =	srdreg.scid  }
0x8b: {  	s0 =	sand.u32 $0x1, s1  }
0x8c: {  	s15 =	sshll.u32 s0, $0xA;
	s2 =	sadd.s32 s3, s2  }
0x8d: {  	s2 =	sadd.s32 s2, s15  }
0x8e: {  	[smem:$0x3FC6] =	sst s2  }
0x8f: {  	_ = 	snop  }
0x90: {  	s2 =	sld [smem:$0x3FD0];
	_ =	sdelay $0x2  }
0x91: {  	s4 =	simm.s32 $0xA;
	s5 =	simm.s32 $0x10;
	s16 =	sld [smem:$0x3FC9]  }
0x92: {  	[smem:s5], [sflag:s4] =	dma.local [hbm:s2], $0x1  }
0x93: {  	_ =	swait.eq [sflag:s4], $0x1  }
0x94: {  	[sflag:s4] =	ssyncset.done $0x0  }
0x95: {  	s17 =	sld [smem:$0x10];
	[sflag:s4] =	ssyncadd.s32 $0xFFFFFFFF  }
0x96: {  	s18 =	sld [smem:$0x11];
	(tm) =	ssettm $0x1  }
0x97: {  	s19 =	sld [smem:$0x3FFB];
	_ =	sdelay $0x3  }
0x98: {  	_ =	strace s19  }
0x99: {  	s5 =	sld [smem:$0x3FFC];
	_ =	sdelay $0x3  }
0x9a: {  	_ =	strace s5  }
0x9b: {  	s5 =	sld [smem:$0x3FFD];
	_ =	sdelay $0x3  }
0x9c: {  	_ =	strace s5  }
0x9d: {  	_ =	strace $0x8FFFFFFF  }
0x9e: {  	s20 =	sld [smem:$0x3FDB];
	_ =	sdelay $0x1  }
0x9f: {  	s6 =	simm.s32 $_scs_section_size  }
0xa0: {  	s7 =	simm.s32 $_size__tile_overlayer_lowered;
	s8 =	simm.s32 $_tile_overlayer_lowered  }
0xa1: {  	s23 =	simm.s32 $0x1BFF;
	s22 =	sshll.u32 s8, $0x1;
	s5 =	sadd.s32 s6, s20  }
0xa2: {  	s9 =	simm.s32 $0x0;
	s21 =	sshll.u32 s7, $0x1;
	s7 =	sadd.s32 s22, s5  }
0xa3: {  	[timem:s9], [sflag:s23] =	dma.local [hbm:s7], s21  }
0xa4: {  	_ =	swait.ge [sflag:s23], s21  }
0xa5: {  	s6 =	ssub.s32 $0x0, s21;
	[sflag:s23] =	ssyncset.done $0x0  }
0xa6: {  	[sflag:s23] =	ssyncadd.s32 s6;
	_ =	sdelay $0x1  }
0xa7: {  	s24 =	simm.s32 $0x1B8B  }
0xa8: {  	_ =	swait.ge [sflag:s24], $0x1  }
0xa9: {  	[sflag:s24] =	ssyncset.done $0x0  }
0xaa: {  	s25 =	simm.s32 $0x1B8E;
	[sflag:s24] =	ssyncadd.s32 $0xFFFFFFFF  }
0xab: {  	s26 =	simm.s32 $execute0_lowered;
	[smem:$0x3FD2] =	sst s25  }
0xac: {  	s6 =	sshll.u32 s26, $0x1;
	_ =	strace $0x80000046;
	[dreg:$0x1] =	wrdreg $0xFFFFFFFF  }
0xad: {  	s28 =	simm.s32 $_size_execute0_lowered;
	s5 =	sadd.s32 s5, s6;
	[dreg:$0x0] =	wrdreg $0x0  }
0xae: {  	s6 =	sshll.u32 s28, $0x1;
	[dreg:$0x2] =	wrdreg s5  }
0xaf: {  	[dreg:$0x3] =	wrdreg s6  }
0xb0: {  	[dreg:$0x4] =	wrdreg $0xC0  }
0xb1: {  	_ =	task [dreg:s9], $0x5FFFF  }
0xb2: {  	[dreg:$0x1] =	wrdreg $0xFFFFFFFF  }
0xb3: {  	[dreg:$0x0] =	wrdreg $0x60  }
0xb4: {  	[dreg:$0x2] =	wrdreg s16  }
0xb5: {  	[dreg:$0x3] =	wrdreg s18  }
0xb6: {  	[dreg:$0x4] =	wrdreg s17  }
0xb7: {  	[dreg:$0x5] =	wrdreg $0x9  }
0xb8: {  	_ =	task.clear_ibuf [dreg:s9], $0x6FFFF;
	_ =	strace $0x90000046  }
0xb9: {  	s29 =	simm.s32 $0x9;
	_ =	strace $0x80000048  }
0xba: {  	_ =	swait.ge [sflag:s29], $0x1  }
0xbb: {  	[sflag:s29] =	ssyncadd.s32 $0xFFFFFFFF  }
0xbc: {  	_ =	strace $0x90000048  }
0xbd: {  	_ =	sfence  }
0xbe: {  	s30 =	sld [smem:$0x0];
	_ =	sdelay $0x2  }
0xbf: {  	s31 =	sshll.u32 s1, $0xD;
	s1 =	sshrl.u32 s1, $0x2  }
0xc0: {  	s3 =	sand.u32 $0x4000, s31;
	s1 =	sadd.s32 s1, s30  }
0xc1: {  	s0 =	sor.u32 s3, s0;
	s1 =	sshll.u32 s1, $0x11  }
0xc2: {  	s0 =	sor.u32 s1, s0  }
0xc3: {  	s0 =	sadd.s32 $0x8F2B, s0  }
0xc4: {  	[sflag:s0] =	ssyncadd.remote.s32 $0x1  }
0xc5: {  	_ =	sfence.sel $0xFFFF  }
0xc6: {  	[dreg:$0x0] =	wrdreg $0xFFFFFFFF;
	(pc) =	sbr.abs _section_cstart, $3  }
0xc7: {  	[dreg:$0x1] =	wrdreg $0xFFFFFFFF  }
0xc8: {  	_ =	task.clear_ibuf [dreg:s9], $0x2FFFF;
	_ =	strace $0x9FFFFFFF  }
0xc9: {  	(tm) =	ssettm $0x7FFFFFFF  }
tec
execute0_lowered:
.L_overlay_start_1:
0x0: {  	(tag) =	ssettag $0x1  }
0x1: {  	s1 =	rddreg [dreg:$0x0]  }
0x2: {  	s5 =	rddreg [dreg:$0x1]  }
0x3: {  	s2 =	rddreg [dreg:$0x2]  }
0x4: {  	s3 =	srdreg.scid;
	s0 =	rddreg [dreg:$0x3];
	s4 =	simm.s32 $0x0  }
0x5: {  	s9 =	simm.s32 $0x2;
	s10 =	simm.s32 $0x4000;
	s11 =	simm.s32 $0x1  }
0x6: {  	s12 =	simm.s32 $0x8000;
	s13 =	simm.s32 $0x80;
	s14 =	simm.s32 $0xC280  }
0x7: {  	v6 =	vlaneseq.u32;
	s15 =	simm.s32 $0x0;
	s6 =	sand.u32 $0x1, s3;
	[smem:$0x7FF] =	sst s4  }
0x8: {  	s3 =	stileid.u32;
	v0 =	vshrl.u32 v6, $0x3;
	s7 =	ssub.s32 $0x2, s6;
	s6 =	sshll.u32 s6, $0x6  }
0x9: {  	s31 =	sshll.u32 s3, $0x7;
	v0 =	vmul.u32 $0x8, v0;
	s8 =	sshrl.u32 s7, $0x1;
	s5 =	sadd.s32 s5, s6  }
0xa: {  	v1 =	vimm.f32 $0.0e+00;
	v2 =	vand.u32 $0x7, v6;
	v6 =	vor.u32 $0x18, v6;
	_ =	strace $0x80000047;
	s7 =	ssub.s32 s7, s8;
	s5 =	sadd.s32 s31, s5  }
0xb: {  	v4 =	vor.u32 $0x8, v2;
	v5 =	vor.u32 $0x10, v2;
	s8 =	simm.s32 $0x6;
	v3 =	vor.u32 $0x10, v0;
	s6 =	smax.u32 s7, $0x1;
	s7 =	simm.s32 $0xC000  }
.LBB2_1:
0xc: {  	[tilespmem:s7], [sflag:$0x6] =	stream.linear.gather [hbm4b:s5+s4], $0x200, $0x38;
	[tilespmem:$0xC300] =	vst v63  }
0xd: {  	_ =	swait.ge [sflag:s8], $0x200  }
0xe: {  	[sflag:s8] =	ssyncset.done $0x0  }
0xf: {  	s16 =	simm.s32 $0x0;
	s17 =	simm.s32 $0x200;
	[sflag:s8] =	ssyncadd.s32 $0xFFFFFE00  }
.LBB2_2:
0x10: {  	p0 =	sne.s32 s17, $0xFE00;
	[tilespmem:s16+$0x8070] =	vst v1  }
0x11: {  	[tilespmem:s16+$0x8000] =	vst v1  }
0x12: {  	[tilespmem:s16+$0x8010] =	vst v1  }
.Ltmp0:
0x13: {  	[tilespmem:s16+$0x8020] =	vst v1;
	(pc) =	sbr.rel @p0 .LBB2_2-.Ltmp0, $4  }
0x14: {  	[tilespmem:s16+$0x8030] =	vst v1  }
0x15: {  	[tilespmem:s16+$0x8040] =	vst v1  }
0x16: {  	[tilespmem:s16+$0x8050] =	vst v1  }
0x17: {  	[tilespmem:s16+$0x8060] =	vst v1;
	s16 =	sshra.s32 s17, $0x2;
	s17 =	sadd.s32 $0x200, s17  }
0x18: {  	[tilespmem:s16+$0x8070] =	vst v1  }
0x19: {  	[tilespmem:s16+$0x8000] =	vst v1  }
0x1a: {  	[tilespmem:s16+$0x8010] =	vst v1  }
.Ltmp1:
0x1b: {  	[tilespmem:s16+$0x8020] =	vst v1;
	(pc) =	sbr.rel .LBB2_4-.Ltmp1, $4  }
0x1c: {  	[tilespmem:s16+$0x8030] =	vst v1  }
0x1d: {  	[tilespmem:s16+$0x8040] =	vst v1  }
0x1e: {  	[tilespmem:s16+$0x8050] =	vst v1  }
0x1f: {  	[tilespmem:s16+$0x8060] =	vst v1;
	s17 =	simm.s32 $0x0;
	s16 =	simm.s32 $0xFFFFFFFF;
	s18 =	simm.s32 $0xFFFFFFFF  }
.LBB2_10:
0x20: {  	(v2sf) =	vpush v7, $0x2;
	_ =	sdelay $0xd  }
0x21: {  	s20 =	sand.u32 $0x1, s21  }
0x22: {  	s22 =	smov.u32 s19;
	p3 =	seq.s32 s20, $0x1;
	s21 =	spop (v2sf)  }
.LBB2_26:
0x23: {  	s19 =	smov.u32 s18;
	s17 =	sadd.s32 $0x1, s17  }
0x24: {  	s19 =	smov.u32 @p1 s21;
	p1 =	sne.s32 s17, $0x21  }
.Ltmp2:
0x25: {  	_ = 	snop;
	(pc) =	sbr.rel @!p1 .LBB2_27-.Ltmp2, $4  }
0x26: {  	_ = 	snop  }
0x27: {  	s20 =	smov.u32 s16  }
0x28: {  	p2 =	seq.s32 s22, $0x0;
	s20 =	smov.u32 @p3 s21  }
0x29: {  	s18 =	smov.u32 @p2 s19;
	s16 =	smov.u32 @p0 s20  }
.LBB2_4:
0x2a: {  	p0 =	seq.s32 s17, $0x20  }
.Ltmp3:
0x2b: {  	_ = 	snop;
	(pc) =	sbr.rel @p0 .LBB2_9-.Ltmp3, $1  }
0x2c: {  	_ =	sdelay $0x3  }
0x2d: {  	s19 =	sshll.u32 s17, $0x4  }
0x2e: {  	s19 =	sand.u32 $0x3FFFFFF0, s19  }
0x2f: {  	v7 =	vld [tilespmem:s19+$0xC000];
	_ =	sdelay $0x4  }
0x30: {  	(v2sf) =	vpush v7, $0x1;
	_ =	sdelay $0xe  }
0x31: {  	s19 =	spop (v2sf)  }
0x32: {  	p0 =	sne.s32 s19, $0x0  }
.Ltmp4:
0x33: {  	_ = 	snop;
	(pc) =	sbr.rel @!p0 .LBB2_6-.Ltmp4, $1  }
0x34: {  	_ =	sdelay $0x3  }
0x35: {  	p0 =	slt.s32 s19, $0x1  }
0x36: {  	s19 =	sand.u32 @!p0 $0x1, s17  }
0x37: {  	p1 =	seq.s32 @!p0 s19, $0x1  }
0x38: {  	p2 =	por p1, p0  }
0x39: {  	v8 =	vbroadcast @!p2 v7, $0x0;
	v9 =	vlaneseq.u32 @!p2  }
0x3a: {  	v10 =	vand.u32 @!p2 $0x7, v9  }
0x3b: {  	v13 =	vshrl.u32 @!p2 v9, $0x3;
	v9 =	vor.u32 @!p2 $0x18, v9;
	v11 =	vadd.s32 @!p2 v10, v8  }
0x3c: {  	v14 =	vor.u32 @!p2 $0x8, v10;
	v13 =	vmul.u32 @!p2 $0x8, v13;
	v10 =	vor.u32 @!p2 $0x10, v10  }
0x3d: {  	vm0 =	vgt.s32 @!p2 v11, $0x0;
	v14 =	vadd.s32 @!p2 v14, v8;
	v10 =	vadd.s32 @!p2 v10, v8  }
0x3e: {  	p3 =	slt.s32 @!p2 s18, $0x0;
	v8 =	vadd.s32 @!p2 v9, v8;
	v11 =	vnsel @!p2 vm0, $0x0, v11;
	vm0 =	vgt.s32 @!p2 v14, $0x0  }
0x3f: {  	p3 =	por @!p0 p3, p1;
	v15 =	vor.u32 @!p2 $0x10, v13;
	v11 =	vmin.u32 @!p2 v11, $0x3FFF;
	v14 =	vnsel @!p2 vm0, $0x0, v14  }
0x40: {  	p3 =	por p3, p0;
	vm0 =	vgt.s32 @!p2 v10, $0x0;
	v12 =	vshll.u32 @!p2 v11, $0x2;
	v11 =	vand.u32 @!p2 $0x7, v11  }
0x41: {  	s20 =	simm.s32 @!p3 $0x3;
	v14 =	vmin.u32 @!p2 v14, $0x3FFF;
	v10 =	vnsel @!p2 vm0, $0x0, v10;
	vm0 =	vgt.s32 @!p2 v8, $0x0  }
0x42: {  	_ =	swait.ge @!p3 [sflag:s20], $0x4000;
	v12 =	vand.u32 @!p2 $0xFFE0, v12;
	v9 =	vshll.u32 @!p2 v14, $0x2;
	v14 =	vand.u32 @!p2 $0x7, v14  }
0x43: {  	[sflag:s20] =	ssyncset.done @!p3 $0x0;
	v10 =	vmin.u32 @!p2 v10, $0x3FFF;
	v8 =	vnsel @!p2 vm0, $0x0, v8;
	v11 =	vor.u32 @!p2 v11, v12  }
0x44: {  	[sflag:s20] =	ssyncadd.s32 @!p3 $0xFFFFC000;
	v9 =	vand.u32 @!p2 $0xFFE0, v9;
	v8 =	vmin.u32 @!p2 v8, $0x3FFF;
	v12 =	vor.u32 @!p2 v13, v11  }
0x45: {  	v11 =	vor.u32 @!p2 v15, v11;
	v9 =	vor.u32 @!p2 v14, v9;
	v14 =	vshll.u32 @!p2 v10, $0x2;
	[tilespmem:$0xC200] =	vst @!p2 v12  }
0x46: {  	v10 =	vand.u32 @!p2 $0x7, v10;
	v12 =	vor.u32 @!p2 v13, v9;
	[tilespmem:$0xC210] =	vst @!p2 v11;
	v11 =	vand.u32 @!p2 $0xFFE0, v14  }
0x47: {  	v9 =	vor.u32 @!p2 v15, v9;
	[tilespmem:$0xC220] =	vst @!p2 v12;
	v10 =	vor.u32 @!p2 v10, v11;
	v11 =	vshll.u32 @!p2 v8, $0x2  }
0x48: {  	[tilespmem:$0xC230] =	vst @!p2 v9;
	v8 =	vand.u32 @!p2 $0x7, v8;
	v9 =	vor.u32 @!p2 v13, v10;
	v11 =	vand.u32 @!p2 $0xFFE0, v11  }
0x49: {  	[tilespmem:$0xC240] =	vst @!p2 v9;
	v9 =	vor.u32 @!p2 v15, v10;
	v8 =	vor.u32 @!p2 v8, v11  }
0x4a: {  	[tilespmem:$0xC250] =	vst @!p2 v9;
	v9 =	vor.u32 @!p2 v13, v8  }
0x4b: {  	v8 =	vor.u32 @!p2 v15, v8;
	[tilespmem:$0xC260] =	vst @!p2 v9  }
0x4c: {  	s21 =	simm.s32 @!p2 $0xC200;
	s22 =	simm.s32 @!p2 $0x0;
	s20 =	simm.s32 @!p2 $0x80;
	[tilespmem:$0xC270] =	vst @!p2 v8  }
0x4d: {  	[tilespmem:s22], [sflag:$0x1] =	stream.indirect.gather @!p2 [hbm4b:s1+s20], $0x80, s21, s20, $0xb8;
	[tilespmem:$0xC300] =	vst v63  }
0x4e: {  	p2 =	seq.s32 @!p2 s19, $0x0  }
0x4f: {  	p1 =	por @!p0 p1, !p2  }
0x50: {  	p0 =	por p0, !p1  }
.Ltmp5:
0x51: {  	_ = 	snop;
	(pc) =	sbr.rel @p0 .LBB2_9-.Ltmp5, $1  }
0x52: {  	_ =	sdelay $0x3  }
0x53: {  	v7 =	vbroadcast v7, $0x0;
	_ =	sdelay $0x1  }
0x54: {  	v8 =	vadd.s32 v2, v7  }
0x55: {  	v10 =	vadd.s32 v4, v7;
	vm0 =	vgt.s32 v8, $0x0  }
0x56: {  	v59 =	vadd.s32 v5, v7;
	v7 =	vadd.s32 v6, v7;
	v8 =	vnsel vm0, $0x0, v8  }
0x57: {  	vm13 =	vgt.s32 v10, $0x0;
	vm14 =	vgt.s32 v59, $0x0;
	v8 =	vmin.u32 v8, $0x3FFF  }
0x58: {  	p0 =	slt.s32 s16, $0x0;
	vm15 =	vgt.s32 v7, $0x0;
	v58 =	vnsel vm13, $0x0, v10;
	v9 =	vshll.u32 v8, $0x2  }
0x59: {  	s19 =	simm.s32 @!p0 $0x4;
	v10 =	vnsel vm14, $0x0, v59;
	v8 =	vand.u32 $0x7, v8;
	v9 =	vand.u32 $0xFFE0, v9  }
0x5a: {  	_ =	swait.ge @!p0 [sflag:s19], $0x4000;
	v7 =	vnsel vm15, $0x0, v7;
	v8 =	vor.u32 v8, v9;
	v9 =	vmin.u32 v58, $0x3FFF  }
0x5b: {  	[sflag:s19] =	ssyncset.done @!p0 $0x0;
	v10 =	vmin.u32 v10, $0x3FFF;
	v7 =	vmin.u32 v7, $0x3FFF;
	v12 =	vshll.u32 v9, $0x2  }
0x5c: {  	[sflag:s19] =	ssyncadd.s32 @!p0 $0xFFFFC000;
	v11 =	vor.u32 v0, v8;
	v9 =	vand.u32 $0x7, v9;
	v12 =	vand.u32 $0xFFE0, v12  }
0x5d: {  	v61 =	vshll.u32 v10, $0x2;
	v8 =	vor.u32 v3, v8;
	[tilespmem:$0xC280] =	vst v11;
	v9 =	vor.u32 v9, v12  }
0x5e: {  	v10 =	vand.u32 $0x7, v10;
	[tilespmem:$0xC290] =	vst v8;
	v8 =	vand.u32 $0xFFE0, v61;
	v60 =	vor.u32 v0, v9  }
0x5f: {  	v62 =	vshll.u32 v7, $0x2;
	v8 =	vor.u32 v10, v8;
	v9 =	vor.u32 v3, v9;
	[tilespmem:$0xC2A0] =	vst v60  }
0x60: {  	v7 =	vand.u32 $0x7, v7;
	v10 =	vand.u32 $0xFFE0, v62;
	v63 =	vor.u32 v0, v8;
	[tilespmem:$0xC2B0] =	vst v9  }
.Ltmp6:
0x61: {  	v8 =	vor.u32 v3, v8;
	v7 =	vor.u32 v7, v10;
	[tilespmem:$0xC2C0] =	vst v63;
	(pc) =	sbr.rel .LBB2_9-.Ltmp6, $4  }
0x62: {  	[tilespmem:$0xC2D0] =	vst v8;
	v8 =	vor.u32 v0, v7  }
0x63: {  	v7 =	vor.u32 v3, v7;
	[tilespmem:$0xC2E0] =	vst v8  }
0x64: {  	[tilespmem:$0xC2F0] =	vst v7  }
0x65: {  	[tilespmem:s10], [sflag:$0x2] =	stream.indirect.gather [hbm4b:s1+s13], $0x80, s14, s13, $0xb8;
	[tilespmem:$0xC300] =	vst v63  }
.LBB2_6:
0x66: {  	(v2sf) =	vpush v7, $0x2;
	_ =	sdelay $0xe  }
0x67: {  	s19 =	spop (v2sf)  }
0x68: {  	s19 =	sshll.u32 s19, $0x4  }
0x69: {  	s19 =	sand.u32 $0x1FFFFFF0, s19  }
0x6a: {  	s19 =	sadd.s32 s2, s19  }
0x6b: {  	[hbm4b:s19+s4] =	stream.linear.scatter [tilespmem:s12], [sflag:$0x5], $0x4000, $0x38;
	[tilespmem:$0xC300] =	vst v63  }
.LBB2_9:
0x6c: {  	s21 =	sadd.s32 $0xFFFFFFFF, s17  }
0x6d: {  	p0 =	sgt.s32 s21, $0x0;
	s19 =	smov.u32 s21  }
0x6e: {  	s19 =	simm.s32 @!p0 $0x0  }
0x6f: {  	s19 =	sshll.u32 s19, $0x4  }
0x70: {  	s19 =	sand.u32 $0x3FFFFFF0, s19  }
0x71: {  	v7 =	vld [tilespmem:s19+$0xC000];
	_ =	sdelay $0x4  }
0x72: {  	(v2sf) =	vpush v7, $0x1;
	_ =	sdelay $0xe  }
0x73: {  	s20 =	spop (v2sf)  }
0x74: {  	p6 =	sne.s32 s17, $0x0;
	p1 =	sgt.s32 s20, $0x0  }
0x75: {  	p0 =	por !p6, !p1  }
0x76: {  	p0 =	por !p0, !p0  }
.Ltmp7:
0x77: {  	_ = 	snop;
	(pc) =	sbr.rel @!p0 .LBB2_10-.Ltmp7, $2  }
0x78: {  	_ =	sdelay $0x2  }
0x79: {  	s19 =	sand.u32 $0x1, s21  }
0x7a: {  	s21 =	sand.u32 $0x1, s21  }
0x7b: {  	p2 =	seq.s32 s21, $0x1  }
.Ltmp8:
0x7c: {  	_ = 	snop;
	(pc) =	sbr.rel @p2 .LBB2_19-.Ltmp8, $1  }
0x7d: {  	_ =	sdelay $0x3  }
0x7e: {  	p3 =	sgt.u32 s20, $0x1F  }
.Ltmp9:
0x7f: {  	_ = 	snop;
	(pc) =	sbr.rel @p3 .LBB2_18-.Ltmp9, $4  }
0x80: {  	_ = 	snop  }
0x81: {  	_ =	swait.ge [sflag:s11], $0x4000  }
0x82: {  	[sflag:s11] =	ssyncset.done $0x0  }
0x83: {  	[sflag:s11] =	ssyncadd.s32 $0xFFFFC000  }
0x84: {  	p4 =	sne.s32 s20, $0x1F  }
.Ltmp10:
0x85: {  	_ = 	snop;
	(pc) =	sbr.rel @!p4 .LBB2_14-.Ltmp10, $3  }
0x86: {  	_ =	sdelay $0x1  }
0x87: {  	s22 =	sshll.u32 s20, $0x2;
	s25 =	sand.u32 $0x7, s20  }
0x88: {  	s23 =	sadd.s32 $0x1, s20;
	p3 =	por $0x0, $0x0;
	s24 =	sand.u32 $0x7FFFE0, s22  }
0x89: {  	s21 =	sor.u32 s25, s24  }
0x8a: {  	s21 =	sshll.u32 s21, $0x9  }
0x8b: {  	s21 =	sshra.s32 s21, $0x2  }
0x8c: {  	[tilespmem:s21+$0xC70] =	vst v1  }
0x8d: {  	[tilespmem:s21+$0x0] =	vst v1  }
0x8e: {  	[tilespmem:s21+$0x10] =	vst v1  }
0x8f: {  	[tilespmem:s21+$0x20] =	vst v1  }
0x90: {  	[tilespmem:s21+$0x30] =	vst v1  }
0x91: {  	[tilespmem:s21+$0x40] =	vst v1  }
0x92: {  	[tilespmem:s21+$0x50] =	vst v1  }
0x93: {  	[tilespmem:s21+$0x60] =	vst v1  }
0x94: {  	[tilespmem:s21+$0x70] =	vst v1  }
0x95: {  	[tilespmem:s21+$0x400] =	vst v1  }
0x96: {  	[tilespmem:s21+$0x410] =	vst v1  }
0x97: {  	[tilespmem:s21+$0x420] =	vst v1  }
0x98: {  	[tilespmem:s21+$0x430] =	vst v1  }
0x99: {  	[tilespmem:s21+$0x440] =	vst v1  }
0x9a: {  	[tilespmem:s21+$0x450] =	vst v1  }
0x9b: {  	[tilespmem:s21+$0x460] =	vst v1  }
0x9c: {  	[tilespmem:s21+$0x470] =	vst v1  }
0x9d: {  	[tilespmem:s21+$0x800] =	vst v1  }
0x9e: {  	[tilespmem:s21+$0x810] =	vst v1  }
0x9f: {  	[tilespmem:s21+$0x820] =	vst v1  }
0xa0: {  	[tilespmem:s21+$0x830] =	vst v1  }
0xa1: {  	[tilespmem:s21+$0x840] =	vst v1  }
0xa2: {  	[tilespmem:s21+$0x850] =	vst v1  }
0xa3: {  	p4 =	sne.s32 s23, $0x1F;
	[tilespmem:s21+$0x860] =	vst v1  }
.Ltmp11:
0xa4: {  	[tilespmem:s21+$0x870] =	vst v1;
	(pc) =	sbr.rel @!p4 .LBB2_17-.Ltmp11, $4  }
0xa5: {  	[tilespmem:s21+$0xC00] =	vst v1  }
0xa6: {  	[tilespmem:s21+$0xC10] =	vst v1  }
0xa7: {  	s22 =	sadd.s32 $0x4, s22;
	s25 =	sand.u32 $0x7, s23;
	[tilespmem:s21+$0xC20] =	vst v1  }
0xa8: {  	s23 =	sadd.s32 $0x1, s23;
	p3 =	por $0x1, $0x1;
	s24 =	sand.u32 $0x7FFFE0, s22;
	[tilespmem:s21+$0xC30] =	vst v1  }
.LBB2_16:
0xa9: {  	p4 =	sne.s32 s23, $0x1F;
	s24 =	sor.u32 s25, s24;
	[tilespmem:s21+$0xC40] =	vst v1  }
0xaa: {  	s24 =	sshll.u32 s24, $0x9;
	[tilespmem:s21+$0xC50] =	vst v1  }
0xab: {  	[tilespmem:s21+$0xC60] =	vst v1;
	s21 =	sshra.s32 s24, $0x2  }
0xac: {  	[tilespmem:s21+$0xC70] =	vst v1  }
0xad: {  	[tilespmem:s21+$0x0] =	vst v1  }
0xae: {  	[tilespmem:s21+$0x10] =	vst v1  }
0xaf: {  	[tilespmem:s21+$0x20] =	vst v1  }
0xb0: {  	[tilespmem:s21+$0x30] =	vst v1  }
0xb1: {  	[tilespmem:s21+$0x40] =	vst v1  }
0xb2: {  	[tilespmem:s21+$0x50] =	vst v1  }
0xb3: {  	[tilespmem:s21+$0x60] =	vst v1  }
0xb4: {  	[tilespmem:s21+$0x70] =	vst v1  }
0xb5: {  	[tilespmem:s21+$0x400] =	vst v1  }
0xb6: {  	[tilespmem:s21+$0x410] =	vst v1  }
0xb7: {  	[tilespmem:s21+$0x420] =	vst v1  }
0xb8: {  	[tilespmem:s21+$0x430] =	vst v1  }
0xb9: {  	[tilespmem:s21+$0x440] =	vst v1  }
0xba: {  	[tilespmem:s21+$0x450] =	vst v1  }
0xbb: {  	[tilespmem:s21+$0x460] =	vst v1  }
0xbc: {  	[tilespmem:s21+$0x470] =	vst v1  }
0xbd: {  	[tilespmem:s21+$0x800] =	vst v1  }
0xbe: {  	[tilespmem:s21+$0x810] =	vst v1  }
0xbf: {  	[tilespmem:s21+$0x820] =	vst v1  }
0xc0: {  	[tilespmem:s21+$0x830] =	vst v1  }
0xc1: {  	[tilespmem:s21+$0x840] =	vst v1  }
0xc2: {  	[tilespmem:s21+$0x850] =	vst v1  }
0xc3: {  	[tilespmem:s21+$0x860] =	vst v1  }
.Ltmp12:
0xc4: {  	[tilespmem:s21+$0x870] =	vst v1;
	(pc) =	sbr.rel @p4 .LBB2_16-.Ltmp12, $4  }
0xc5: {  	[tilespmem:s21+$0xC00] =	vst v1  }
0xc6: {  	[tilespmem:s21+$0xC10] =	vst v1  }
0xc7: {  	s22 =	sadd.s32 $0x4, s22;
	[tilespmem:s21+$0xC20] =	vst v1  }
0xc8: {  	s25 =	sand.u32 $0x7, s23;
	s23 =	sadd.s32 $0x1, s23;
	s24 =	sand.u32 $0x7FFFE0, s22;
	[tilespmem:s21+$0xC30] =	vst v1  }
.LBB2_17:
0xc9: {  	s22 =	sor.u32 s25, s24;
	[tilespmem:s21+$0xC40] =	vst @p3 v1  }
0xca: {  	[tilespmem:s21+$0xC50] =	vst @p3 v1;
	s22 =	sshll.u32 s22, $0x9  }
0xcb: {  	[tilespmem:s21+$0xC60] =	vst @p3 v1;
	s22 =	sshra.s32 s22, $0x2  }
0xcc: {  	[tilespmem:s22+$0xC70] =	vst v1  }
0xcd: {  	[tilespmem:s22+$0x0] =	vst v1  }
0xce: {  	[tilespmem:s22+$0x10] =	vst v1  }
0xcf: {  	[tilespmem:s22+$0x20] =	vst v1  }
0xd0: {  	[tilespmem:s22+$0x30] =	vst v1  }
0xd1: {  	[tilespmem:s22+$0x40] =	vst v1  }
0xd2: {  	[tilespmem:s22+$0x50] =	vst v1  }
0xd3: {  	[tilespmem:s22+$0x60] =	vst v1  }
0xd4: {  	[tilespmem:s22+$0x70] =	vst v1  }
0xd5: {  	[tilespmem:s22+$0x400] =	vst v1  }
0xd6: {  	[tilespmem:s22+$0x410] =	vst v1  }
0xd7: {  	[tilespmem:s22+$0x420] =	vst v1  }
0xd8: {  	[tilespmem:s22+$0x430] =	vst v1  }
0xd9: {  	[tilespmem:s22+$0x440] =	vst v1  }
0xda: {  	[tilespmem:s22+$0x450] =	vst v1  }
0xdb: {  	[tilespmem:s22+$0x460] =	vst v1  }
0xdc: {  	[tilespmem:s22+$0x470] =	vst v1  }
0xdd: {  	[tilespmem:s22+$0x800] =	vst v1  }
0xde: {  	[tilespmem:s22+$0x810] =	vst v1  }
0xdf: {  	[tilespmem:s22+$0x820] =	vst v1  }
0xe0: {  	[tilespmem:s22+$0x830] =	vst v1  }
0xe1: {  	[tilespmem:s22+$0x840] =	vst v1  }
0xe2: {  	[tilespmem:s22+$0x850] =	vst v1  }
0xe3: {  	[tilespmem:s22+$0x860] =	vst v1  }
0xe4: {  	[tilespmem:s22+$0x870] =	vst v1  }
0xe5: {  	[tilespmem:s22+$0xC00] =	vst v1  }
0xe6: {  	[tilespmem:s22+$0xC10] =	vst v1  }
0xe7: {  	[tilespmem:s22+$0xC20] =	vst v1  }
0xe8: {  	[tilespmem:s22+$0xC30] =	vst v1  }
0xe9: {  	[tilespmem:s22+$0xC40] =	vst v1  }
0xea: {  	[tilespmem:s22+$0xC50] =	vst v1  }
0xeb: {  	[tilespmem:s22+$0xC60] =	vst v1  }
.LBB2_18:
0xec: {  	(v2sf) =	vpush v7, $0x2;
	_ =	sdelay $0xd  }
0xed: {  	p4 =	seq.s32 s19, $0x0  }
.Ltmp13:
0xee: {  	s21 =	spop (v2sf);
	(pc) =	sbr.rel @p4 .LBB2_26-.Ltmp13, $4  }
0xef: {  	s22 =	sshll.u32 s21, $0x4  }
0xf0: {  	s22 =	sand.u32 $0x1FFFFFF0, s22  }
0xf1: {  	p3 =	por $0x0, $0x0;
	s23 =	sadd.s32 s2, s22;
	s22 =	simm.s32 $0x0  }
0xf2: {  	[hbm4b:s23+s22] =	stream.linear.scatter [tilespmem:s22], [sflag:$0x3], $0x4000, $0x38;
	[tilespmem:$0xC300] =	vst v63  }
.LBB2_19:
0xf3: {  	p3 =	sgt.u32 s20, $0x1F  }
.Ltmp14:
0xf4: {  	_ = 	snop;
	(pc) =	sbr.rel @p3 .LBB2_25-.Ltmp14, $4  }
0xf5: {  	_ = 	snop  }
0xf6: {  	_ =	swait.ge [sflag:s9], $0x4000  }
0xf7: {  	[sflag:s9] =	ssyncset.done $0x0  }
0xf8: {  	[sflag:s9] =	ssyncadd.s32 $0xFFFFC000  }
0xf9: {  	p4 =	sne.s32 s20, $0x1F  }
.Ltmp15:
0xfa: {  	_ = 	snop;
	(pc) =	sbr.rel @!p4 .LBB2_21-.Ltmp15, $3  }
0xfb: {  	_ =	sdelay $0x1  }
0xfc: {  	s21 =	sshll.u32 s20, $0x2;
	s24 =	sand.u32 $0x7, s20  }
0xfd: {  	s22 =	sadd.s32 $0x1, s20;
	p3 =	por $0x0, $0x0;
	s23 =	sand.u32 $0x7FFFE0, s21  }
0xfe: {  	s20 =	sor.u32 s24, s23  }
0xff: {  	s20 =	sshll.u32 s20, $0x9  }
0x100: {  	s20 =	sshra.s32 s20, $0x2  }
0x101: {  	[tilespmem:s20+$0x4C70] =	vst v1  }
0x102: {  	[tilespmem:s20+$0x4000] =	vst v1  }
0x103: {  	[tilespmem:s20+$0x4010] =	vst v1  }
0x104: {  	[tilespmem:s20+$0x4020] =	vst v1  }
0x105: {  	[tilespmem:s20+$0x4030] =	vst v1  }
0x106: {  	[tilespmem:s20+$0x4040] =	vst v1  }
0x107: {  	[tilespmem:s20+$0x4050] =	vst v1  }
0x108: {  	[tilespmem:s20+$0x4060] =	vst v1  }
0x109: {  	[tilespmem:s20+$0x4070] =	vst v1  }
0x10a: {  	[tilespmem:s20+$0x4400] =	vst v1  }
0x10b: {  	[tilespmem:s20+$0x4410] =	vst v1  }
0x10c: {  	[tilespmem:s20+$0x4420] =	vst v1  }
0x10d: {  	[tilespmem:s20+$0x4430] =	vst v1  }
0x10e: {  	[tilespmem:s20+$0x4440] =	vst v1  }
0x10f: {  	[tilespmem:s20+$0x4450] =	vst v1  }
0x110: {  	[tilespmem:s20+$0x4460] =	vst v1  }
0x111: {  	[tilespmem:s20+$0x4470] =	vst v1  }
0x112: {  	[tilespmem:s20+$0x4800] =	vst v1  }
0x113: {  	[tilespmem:s20+$0x4810] =	vst v1  }
0x114: {  	[tilespmem:s20+$0x4820] =	vst v1  }
0x115: {  	[tilespmem:s20+$0x4830] =	vst v1  }
0x116: {  	[tilespmem:s20+$0x4840] =	vst v1  }
0x117: {  	[tilespmem:s20+$0x4850] =	vst v1  }
0x118: {  	p4 =	sne.s32 s22, $0x1F;
	[tilespmem:s20+$0x4860] =	vst v1  }
.Ltmp16:
0x119: {  	[tilespmem:s20+$0x4870] =	vst v1;
	(pc) =	sbr.rel @!p4 .LBB2_24-.Ltmp16, $4  }
0x11a: {  	[tilespmem:s20+$0x4C00] =	vst v1  }
0x11b: {  	[tilespmem:s20+$0x4C10] =	vst v1  }
0x11c: {  	s21 =	sadd.s32 $0x4, s21;
	s24 =	sand.u32 $0x7, s22;
	[tilespmem:s20+$0x4C20] =	vst v1  }
0x11d: {  	s22 =	sadd.s32 $0x1, s22;
	p3 =	por $0x1, $0x1;
	s23 =	sand.u32 $0x7FFFE0, s21;
	[tilespmem:s20+$0x4C30] =	vst v1  }
.LBB2_23:
0x11e: {  	p4 =	sne.s32 s22, $0x1F;
	s23 =	sor.u32 s24, s23;
	[tilespmem:s20+$0x4C40] =	vst v1  }
0x11f: {  	s23 =	sshll.u32 s23, $0x9;
	[tilespmem:s20+$0x4C50] =	vst v1  }
0x120: {  	[tilespmem:s20+$0x4C60] =	vst v1;
	s20 =	sshra.s32 s23, $0x2  }
0x121: {  	[tilespmem:s20+$0x4C70] =	vst v1  }
0x122: {  	[tilespmem:s20+$0x4000] =	vst v1  }
0x123: {  	[tilespmem:s20+$0x4010] =	vst v1  }
0x124: {  	[tilespmem:s20+$0x4020] =	vst v1  }
0x125: {  	[tilespmem:s20+$0x4030] =	vst v1  }
0x126: {  	[tilespmem:s20+$0x4040] =	vst v1  }
0x127: {  	[tilespmem:s20+$0x4050] =	vst v1  }
0x128: {  	[tilespmem:s20+$0x4060] =	vst v1  }
0x129: {  	[tilespmem:s20+$0x4070] =	vst v1  }
0x12a: {  	[tilespmem:s20+$0x4400] =	vst v1  }
0x12b: {  	[tilespmem:s20+$0x4410] =	vst v1  }
0x12c: {  	[tilespmem:s20+$0x4420] =	vst v1  }
0x12d: {  	[tilespmem:s20+$0x4430] =	vst v1  }
0x12e: {  	[tilespmem:s20+$0x4440] =	vst v1  }
0x12f: {  	[tilespmem:s20+$0x4450] =	vst v1  }
0x130: {  	[tilespmem:s20+$0x4460] =	vst v1  }
0x131: {  	[tilespmem:s20+$0x4470] =	vst v1  }
0x132: {  	[tilespmem:s20+$0x4800] =	vst v1  }
0x133: {  	[tilespmem:s20+$0x4810] =	vst v1  }
0x134: {  	[tilespmem:s20+$0x4820] =	vst v1  }
0x135: {  	[tilespmem:s20+$0x4830] =	vst v1  }
0x136: {  	[tilespmem:s20+$0x4840] =	vst v1  }
0x137: {  	[tilespmem:s20+$0x4850] =	vst v1  }
0x138: {  	[tilespmem:s20+$0x4860] =	vst v1  }
.Ltmp17:
0x139: {  	[tilespmem:s20+$0x4870] =	vst v1;
	(pc) =	sbr.rel @p4 .LBB2_23-.Ltmp17, $4  }
0x13a: {  	[tilespmem:s20+$0x4C00] =	vst v1  }
0x13b: {  	[tilespmem:s20+$0x4C10] =	vst v1  }
0x13c: {  	s21 =	sadd.s32 $0x4, s21;
	[tilespmem:s20+$0x4C20] =	vst v1  }
0x13d: {  	s24 =	sand.u32 $0x7, s22;
	s22 =	sadd.s32 $0x1, s22;
	s23 =	sand.u32 $0x7FFFE0, s21;
	[tilespmem:s20+$0x4C30] =	vst v1  }
.LBB2_24:
0x13e: {  	s21 =	sor.u32 s24, s23;
	[tilespmem:s20+$0x4C40] =	vst @p3 v1  }
0x13f: {  	[tilespmem:s20+$0x4C50] =	vst @p3 v1;
	s21 =	sshll.u32 s21, $0x9  }
0x140: {  	[tilespmem:s20+$0x4C60] =	vst @p3 v1;
	s21 =	sshra.s32 s21, $0x2  }
0x141: {  	[tilespmem:s21+$0x4C70] =	vst v1  }
0x142: {  	[tilespmem:s21+$0x4000] =	vst v1  }
0x143: {  	[tilespmem:s21+$0x4010] =	vst v1  }
0x144: {  	[tilespmem:s21+$0x4020] =	vst v1  }
0x145: {  	[tilespmem:s21+$0x4030] =	vst v1  }
0x146: {  	[tilespmem:s21+$0x4040] =	vst v1  }
0x147: {  	[tilespmem:s21+$0x4050] =	vst v1  }
0x148: {  	[tilespmem:s21+$0x4060] =	vst v1  }
0x149: {  	[tilespmem:s21+$0x4070] =	vst v1  }
0x14a: {  	[tilespmem:s21+$0x4400] =	vst v1  }
0x14b: {  	[tilespmem:s21+$0x4410] =	vst v1  }
0x14c: {  	[tilespmem:s21+$0x4420] =	vst v1  }
0x14d: {  	[tilespmem:s21+$0x4430] =	vst v1  }
0x14e: {  	[tilespmem:s21+$0x4440] =	vst v1  }
0x14f: {  	[tilespmem:s21+$0x4450] =	vst v1  }
0x150: {  	[tilespmem:s21+$0x4460] =	vst v1  }
0x151: {  	[tilespmem:s21+$0x4470] =	vst v1  }
0x152: {  	[tilespmem:s21+$0x4800] =	vst v1  }
0x153: {  	[tilespmem:s21+$0x4810] =	vst v1  }
0x154: {  	[tilespmem:s21+$0x4820] =	vst v1  }
0x155: {  	[tilespmem:s21+$0x4830] =	vst v1  }
0x156: {  	[tilespmem:s21+$0x4840] =	vst v1  }
0x157: {  	[tilespmem:s21+$0x4850] =	vst v1  }
0x158: {  	[tilespmem:s21+$0x4860] =	vst v1  }
0x159: {  	[tilespmem:s21+$0x4870] =	vst v1  }
0x15a: {  	[tilespmem:s21+$0x4C00] =	vst v1  }
0x15b: {  	[tilespmem:s21+$0x4C10] =	vst v1  }
0x15c: {  	[tilespmem:s21+$0x4C20] =	vst v1  }
0x15d: {  	[tilespmem:s21+$0x4C30] =	vst v1  }
0x15e: {  	[tilespmem:s21+$0x4C40] =	vst v1  }
0x15f: {  	[tilespmem:s21+$0x4C50] =	vst v1  }
0x160: {  	[tilespmem:s21+$0x4C60] =	vst v1  }
.LBB2_25:
0x161: {  	(v2sf) =	vpush v7, $0x2;
	_ =	sdelay $0xe  }
.Ltmp18:
0x162: {  	s21 =	spop (v2sf);
	(pc) =	sbr.rel .LBB2_26-.Ltmp18, $4  }
0x163: {  	s20 =	sshll.u32 s21, $0x4  }
0x164: {  	s20 =	sand.u32 $0x1FFFFFF0, s20  }
0x165: {  	p3 =	por p2, p2;
	s22 =	smov.u32 s19;
	s20 =	sadd.s32 s2, s20  }
0x166: {  	[hbm4b:s20+s4] =	stream.linear.scatter [tilespmem:s10], [sflag:$0x4], $0x4000, $0x38;
	[tilespmem:$0xC300] =	vst v63  }
.LBB2_21:
.Ltmp19:
0x167: {  	(pc) =	sbr.rel .LBB2_24-.Ltmp19, $2  }
0x168: {  	_ =	sdelay $0x2  }
0x169: {  	_ = 	snop  }
.LBB2_14:
.Ltmp20:
0x16a: {  	(pc) =	sbr.rel .LBB2_17-.Ltmp20, $2  }
0x16b: {  	_ =	sdelay $0x2  }
0x16c: {  	_ = 	snop  }
.LBB2_27:
0x16d: {  	p0 =	slt.s32 s18, $0x0  }
0x16e: {  	s17 =	simm.s32 @!p0 $0x3  }
0x16f: {  	_ =	swait.ge @!p0 [sflag:s17], $0x4000  }
0x170: {  	p1 =	slt.s32 s16, $0x0;
	[sflag:s17] =	ssyncset.done @!p0 $0x0  }
0x171: {  	s16 =	simm.s32 @!p1 $0x4;
	[sflag:s17] =	ssyncadd.s32 @!p0 $0xFFFFC000  }
0x172: {  	_ =	swait.ge @!p1 [sflag:s16], $0x4000  }
0x173: {  	[sflag:s16] =	ssyncset.done @!p1 $0x0  }
0x174: {  	s30 =	simm.s32 $0x0;
	[sflag:s16] =	ssyncadd.s32 @!p1 $0xFFFFC000  }
0x175: {  	v7 =	vld [tilespmem:s30+$0xC000];
	_ =	sdelay $0x4  }
0x176: {  	(v2sf) =	vpush v7, $0x1;
	_ =	sdelay $0xe  }
0x177: {  	s31 =	spop (v2sf)  }
0x178: {  	p1 =	sne.s32 s31, $0x0  }
0x179: {  	s17 =	simm.s32 @!p1 $0x5  }
0x17a: {  	_ =	swait.ge @!p1 [sflag:s17], $0x4000  }
0x17b: {  	s16 =	simm.s32 $0x40;
	[sflag:s17] =	ssyncset.done @!p1 $0x0  }
.LBB2_28:
0x17c: {  	s18 =	sshra.s32 s16, $0x2;
	[sflag:s17] =	ssyncadd.s32 @!p1 $0xFFFFC000  }
0x17d: {  	s16 =	sadd.s32 $0x40, s16;
	v7 =	vld [tilespmem:s18+$0xC000]  }
0x17e: {  	p0 =	sne.s32 s16, $0x800;
	_ =	sdelay $0x3  }
0x17f: {  	(v2sf) =	vpush v7, $0x1;
	_ =	sdelay $0xe  }
.Ltmp21:
0x180: {  	s17 =	spop (v2sf);
	(pc) =	sbr.rel @p0 .LBB2_28-.Ltmp21, $4  }
0x181: {  	p1 =	sne.s32 s17, $0x0  }
0x182: {  	s17 =	simm.s32 @!p1 $0x5  }
0x183: {  	_ =	swait.ge @!p1 [sflag:s17], $0x4000  }
0x184: {  	[sflag:s17] =	ssyncset.done @!p1 $0x0  }
0x185: {  	s15 =	sadd.s32 $0x1, s15  }
0x186: {  	p0 =	sne.s32 s15, s6  }
.Ltmp22:
0x187: {  	_ = 	snop;
	(pc) =	sbr.rel @p0 .LBB2_1-.Ltmp22, $2  }
0x188: {  	_ =	sdelay $0x2  }
0x189: {  	[sflag:s17] =	ssyncadd.s32 @!p1 $0xFFFFC000  }
0x18a: {  	_ =	sfence.sel $0x180000  }
0x18b: {  	[bflag:$0x0] =	sbarrier.arrive $0xFFFF  }
0x18c: {  	p0 =	sne.s32 s3, $0x0;
	_ =	strace $0x90000047  }
0x18d: {  	s0 =	sadd.s32 @!p0 $0x100000, s0;
	[bflag:$0x2] =	sbarrier.arrive $0xFFFF  }
0x18e: {  	[sflag:s0] =	ssyncadd.tile.s32 @!p0 $0x1;
	_ =	shalt  }
.Lfunc_end2:
_tile_overlayer_lowered:
.L_overlay_start_2:
0x18f: {  	(tag) =	ssettag $0x2  }
0x190: {  	s0 =	rddreg [dreg:$0x0];
	s2 =	stileid.u32  }
0x191: {  	s1 =	rddreg [dreg:$0x1];
	p0 =	sne.s32 s2, $0x0  }
0x192: {  	s3 =	rddreg [dreg:$0x2];
	[bflag:$0x3] =	sbarrier.arrive $0xFFFF;
	s2 =	simm.s32 @!p0 $0x1C06  }
0x193: {  	[timem:s3], [sflag:s2] =	dma.local @!p0 [hbm:s0], s1  }
0x194: {  	s0 =	simm.s32 @!p0 $0x6  }
0x195: {  	_ =	swait.ge @!p0 [sflag:s0], s1  }
0x196: {  	s1 =	ssub.s32 @!p0 $0x0, s1;
	[sflag:s0] =	ssyncset.done @!p0 $0x0  }
0x197: {  	[sflag:s0] =	ssyncadd.s32 @!p0 s1  }
0x198: {  	[bflag:$0x3] =	sbarrier.arrive $0xFFFF  }
0x199: {  	_ =	shalt  }

</sc_bundles>
